<compile_context>
chip_gen: v7x
topology: tpu7x:2x2x1
jax: 0.10.2.dev20260603
libtpu: 0.0.44.dev20260713+nightly
codegen_flags: <defaults>
</compile_context>

<pallas_src>
import functools

import jax
import jax.numpy as jnp
from jax import lax
from jax.experimental import pallas as pl
from jax.experimental.pallas import tpu as pltpu
from jax.experimental.pallas import tpu_sc as plsc

B = 16384
H = 64
NC = 2
NS = 16
NW = NC * NS
B_PER_W = B // NW

TC_BLOCK = 1024
GRID = B // TC_BLOCK

STRIPE = 16384
N_USER = 190662
N_MUSIC = 42800
N_SINGER = 417


def _packed_rows(m):
    return ((m + STRIPE - 1) // STRIPE) * (STRIPE // 2)


def _pack_kernel(tab_t_ref, out_ref):
    q = STRIPE // 4
    s0 = tab_t_ref[:, 0:q].T
    s1 = tab_t_ref[:, q:2 * q].T
    s2 = tab_t_ref[:, 2 * q:3 * q].T
    s3 = tab_t_ref[:, 3 * q:4 * q].T
    left = jnp.concatenate([s0, s1], axis=0)
    right = jnp.concatenate([s2, s3], axis=0)
    out_ref[...] = jnp.concatenate([left, right], axis=1)


def _pack_table(table_t, m):
    grid = (m + STRIPE - 1) // STRIPE
    return pl.pallas_call(
        _pack_kernel,
        grid=(grid,),
        compiler_params=pltpu.CompilerParams(
            dimension_semantics=("parallel",)),
        in_specs=[pl.BlockSpec((H, STRIPE), lambda i: (0, i))],
        out_specs=pl.BlockSpec((STRIPE // 2, 2 * H), lambda i: (i, 0)),
        out_shape=jax.ShapeDtypeStruct((grid * (STRIPE // 2), 2 * H),
                                       jnp.float32),
    )(table_t)


CHUNK = B_PER_W // 2


def _chunked_gather(jobs, idx_bufs, rows_bufs, gsem, wsems, base):
    chunks = []
    for j, (table, idx_hbm, out_hbm) in enumerate(jobs):
        pltpu.sync_copy(idx_hbm.at[pl.ds(base, B_PER_W)], idx_bufs[j])
        for c in range(B_PER_W // CHUNK):
            chunks.append((j, c))
    wbs = [None] * len(chunks)
    for k, (j, c) in enumerate(chunks):
        buf = rows_bufs[k % 2]
        if k >= 2 and wbs[k - 2] is not None:
            wbs[k - 2].wait()
        table, _, out_hbm = jobs[j]
        pltpu.async_copy(table.at[idx_bufs[j].at[pl.ds(c * CHUNK, CHUNK)]],
                         buf, gsem).wait()
        wbs[k] = pltpu.async_copy(
            buf, out_hbm.at[pl.ds(base + c * CHUNK, CHUNK)], wsems[k % 2])
    for k in range(max(0, len(chunks) - 2), len(chunks)):
        wbs[k].wait()


def _sc_gather2_kernel(tab_a, tab_b, idx_a, idx_b, out_a, out_b,
                       idx_v0, idx_v1, rows_v0, rows_v1, gsem, wsem0, wsem1):
    wid = lax.axis_index("s") * NC + lax.axis_index("c")
    base = wid * B_PER_W
    _chunked_gather([(tab_a, idx_a, out_a), (tab_b, idx_b, out_b)],
                    [idx_v0, idx_v1], [rows_v0, rows_v1],
                    gsem, [wsem0, wsem1], base)


def _sc_gather1_kernel(table, idx, out, idx_v, rows_v0, rows_v1,
                       gsem, wsem0, wsem1):
    wid = lax.axis_index("s") * NC + lax.axis_index("c")
    base = wid * B_PER_W
    _chunked_gather([(table, idx, out)],
                    [idx_v], [rows_v0, rows_v1],
                    gsem, [wsem0, wsem1], base)


_SC_MESH_KW = dict(
    compiler_params=pltpu.CompilerParams(use_tc_tiling_on_sc=True),
)


def _sc_gather_pair(tab_a, tab_b, idx_a, idx_b):
    mesh = plsc.VectorSubcoreMesh(core_axis_name="c", subcore_axis_name="s")
    out = jax.ShapeDtypeStruct((B, 2 * H), jnp.float32)
    k = pl.kernel(
        _sc_gather2_kernel,
        out_type=(out, out),
        mesh=mesh,
        scratch_types=[
            pltpu.VMEM((B_PER_W,), jnp.int32),
            pltpu.VMEM((B_PER_W,), jnp.int32),
            pltpu.VMEM((CHUNK, 2 * H), jnp.float32),
            pltpu.VMEM((CHUNK, 2 * H), jnp.float32),
            pltpu.SemaphoreType.DMA,
            pltpu.SemaphoreType.DMA,
            pltpu.SemaphoreType.DMA,
        ],
        **_SC_MESH_KW,
    )
    return k(tab_a, tab_b, idx_a, idx_b)


def _sc_gather_one(table, idx):
    mesh = plsc.VectorSubcoreMesh(core_axis_name="c", subcore_axis_name="s")
    out = jax.ShapeDtypeStruct((B, 2 * H), jnp.float32)
    k = pl.kernel(
        _sc_gather1_kernel,
        out_type=out,
        mesh=mesh,
        scratch_types=[
            pltpu.VMEM((B_PER_W,), jnp.int32),
            pltpu.VMEM((CHUNK, 2 * H), jnp.float32),
            pltpu.VMEM((CHUNK, 2 * H), jnp.float32),
            pltpu.SemaphoreType.DMA,
            pltpu.SemaphoreType.DMA,
            pltpu.SemaphoreType.DMA,
        ],
        **_SC_MESH_KW,
    )
    return k(table, idx)


def _tc_kernel(gath0_ref, gath1_ref, gath2_ref, art_t_ref, mom_t_ref,
               feat_ref, ids_ref, wuf_ref, wml_ref, wsf_ref, bias_t_ref,
               age_emb_ref, gender_emb_ref, genre_emb_ref, out_ref):
    f32 = jnp.float32
    hi = jax.lax.Precision.DEFAULT

    def onehot_lookup_t(f, n, table_ref):
        ids_row = ids_ref[f]
        iota = lax.broadcasted_iota(jnp.int32, (n, TC_BLOCK), 0)
        oh = (iota == ids_row).astype(f32)
        return lax.dot_general(table_ref[...], oh,
                               (((0,), (0,)), ((), ())), precision=hi)

    def half_select_t(g_ref, par_row):
        g_t = g_ref[...].T
        return jnp.where(par_row == 1, g_t[H:2 * H, :], g_t[0:H, :])

    age_t = onehot_lookup_t(0, 6, age_emb_ref)
    gender_t = onehot_lookup_t(1, 2, gender_emb_ref)
    genre_t = onehot_lookup_t(2, 18, genre_emb_ref)

    uemb_t = half_select_t(gath0_ref, ids_ref[3])
    semb_t = half_select_t(gath1_ref, ids_ref[4])
    memb_t = half_select_t(gath2_ref, ids_ref[5])

    art_t = lax.dot_general(wuf_ref[...], art_t_ref[...],
                            (((1,), (0,)), ((), ())),
                            precision=hi) + bias_t_ref[:, 0:1]
    mom_t = lax.dot_general(wml_ref[...], mom_t_ref[...],
                            (((1,), (0,)), ((), ())),
                            precision=hi) + bias_t_ref[:, 1:2]
    feat_t = lax.dot_general(wsf_ref[...], feat_ref[...],
                             (((1,), (1,)), ((), ())),
                             precision=hi) + bias_t_ref[:, 2:3]

    out_ref[...] = jnp.concatenate(
        [uemb_t, age_t, gender_t, art_t, mom_t, feat_t,
         semb_t, genre_t, memb_t], axis=0)


def _tc_assemble(gath0, gath1, gath2, art_t, mom_t, features, ids,
                 wuf, wml, wsf, biases_t, age_emb, gender_emb, genre_emb):
    return pl.pallas_call(
        _tc_kernel,
        grid=(GRID,),
        compiler_params=pltpu.CompilerParams(
            dimension_semantics=("parallel",)),
        in_specs=[
            pl.BlockSpec((TC_BLOCK, 2 * H), lambda i: (i, 0)),
            pl.BlockSpec((TC_BLOCK, 2 * H), lambda i: (i, 0)),
            pl.BlockSpec((TC_BLOCK, 2 * H), lambda i: (i, 0)),
            pl.BlockSpec((200, TC_BLOCK), lambda i: (0, i)),
            pl.BlockSpec((64, TC_BLOCK), lambda i: (0, i)),
            pl.BlockSpec((TC_BLOCK, 128), lambda i: (i, 0)),
            pl.BlockSpec((6, 1, TC_BLOCK), lambda i: (0, 0, i)),
            pl.BlockSpec((64, 200), lambda i: (0, 0)),
            pl.BlockSpec((64, 64), lambda i: (0, 0)),
            pl.BlockSpec((64, 128), lambda i: (0, 0)),
            pl.BlockSpec((64, 3), lambda i: (0, 0)),
            pl.BlockSpec((6, H), lambda i: (0, 0)),
            pl.BlockSpec((2, H), lambda i: (0, 0)),
            pl.BlockSpec((18, H), lambda i: (0, 0)),
        ],
        out_specs=pl.BlockSpec((9 * H, TC_BLOCK), lambda i: (0, i)),
        out_shape=jax.ShapeDtypeStruct((9 * H, B), jnp.float32),
    )(gath0, gath1, gath2, art_t, mom_t, features, ids,
      wuf, wml, wsf, biases_t, age_emb, gender_emb, genre_emb)


def kernel(user_articles, user_moments, user_id, user_age, user_gender,
           music_features, music_singer, music_genre, music_id,
           W_uf, b_uf, W_ml, b_ml, W_sf, b_sf,
           UserEmb, AgeEmb, GenderEmb, SingerEmb, GenreEmb, MusicEmb):
    i32 = jnp.int32

    singer_p = _pack_table(SingerEmb.T, N_SINGER)
    music_p = _pack_table(MusicEmb.T, N_MUSIC)
    user_p = _pack_table(UserEmb.T, N_USER)

    def packed_row_parity(r):
        r = r.astype(i32)
        row = (r // STRIPE) * (STRIPE // 2) + (r % (STRIPE // 2))
        parity = (r // (STRIPE // 2)) % 2
        return row, parity

    row_u, par_u = packed_row_parity(user_id)
    row_s, par_s = packed_row_parity(music_singer.reshape(B))
    row_m, par_m = packed_row_parity(music_id.reshape(B))

    gath1, gath2 = _sc_gather_pair(singer_p, music_p, row_s, row_m)
    gath0 = _sc_gather_one(user_p, row_u)

    ids = jnp.stack([user_age.astype(i32),
                     user_gender.astype(i32),
                     music_genre.reshape(B).astype(i32),
                     par_u, par_s, par_m], axis=0).reshape(6, 1, B)
    biases_t = jnp.stack([b_uf, b_ml, b_sf], axis=1)
    out_t = _tc_assemble(gath0, gath1, gath2, user_articles.T,
                         user_moments.T, music_features.reshape(B, 128),
                         ids, W_uf, W_ml, W_sf, biases_t,
                         AgeEmb, GenderEmb, GenreEmb)
    return out_t.T

# --- scband reference (transcript-rebuilt; emitter-appended) ---
"""Pipeline reference for scband-field-encoder-54657753809320 (READ-ONLY COPY).

The authoritative reference and input builder live on the scoring server;
editing this copy changes nothing except your own understanding.
"""

import jax, jax.numpy as jnp
import numpy as np

B = 16384
H = 64
A_LEN = 200
M_LEN = 64
S_LEN = 128
N_USER = 190662
N_MUSIC = 42800
N_SINGER = 417
N_GENRE = 18
N_AGE = 6
N_GENDER = 2


def setup_inputs(seed: int = 0) -> dict:
    key = jax.random.key(seed)
    ks = jax.random.split(key, 24)
    inp = {}
    # forward inputs
    inp["user_articles"] = jax.random.normal(ks[0], (B, A_LEN), dtype=jnp.float32)
    inp["user_moments"] = jax.random.normal(ks[1], (B, M_LEN), dtype=jnp.float32)
    inp["user_id"] = jax.random.randint(ks[2], (B,), 0, N_USER)
    inp["user_age"] = jax.random.randint(ks[3], (B,), 0, N_AGE)
    inp["user_gender"] = jax.random.randint(ks[4], (B,), 0, N_GENDER)
    inp["music_features"] = jax.random.normal(ks[5], (B, 1, S_LEN), dtype=jnp.float32)
    inp["music_singer"] = jax.random.randint(ks[6], (B, 1), 0, N_SINGER)
    inp["music_genre"] = jax.random.randint(ks[7], (B, 1), 0, N_GENRE)
    inp["music_id"] = jax.random.randint(ks[8], (B, 1), 0, N_MUSIC)
    # learned parameters
    inp["W_uf"] = jax.random.normal(ks[9], (H, A_LEN), dtype=jnp.float32) * 0.02
    inp["b_uf"] = jnp.zeros((H,), dtype=jnp.float32)
    inp["W_ml"] = jax.random.normal(ks[10], (H, M_LEN), dtype=jnp.float32) * 0.02
    inp["b_ml"] = jnp.zeros((H,), dtype=jnp.float32)
    inp["W_sf"] = jax.random.normal(ks[11], (H, S_LEN), dtype=jnp.float32) * 0.02
    inp["b_sf"] = jnp.zeros((H,), dtype=jnp.float32)
    inp["UserEmb"] = jax.random.normal(ks[12], (N_USER, H), dtype=jnp.float32) * 0.02
    inp["AgeEmb"] = jax.random.normal(ks[13], (N_AGE, H), dtype=jnp.float32) * 0.02
    inp["GenderEmb"] = jax.random.normal(ks[14], (N_GENDER, H), dtype=jnp.float32) * 0.02
    inp["SingerEmb"] = jax.random.normal(ks[15], (N_SINGER, H), dtype=jnp.float32) * 0.02
    inp["GenreEmb"] = jax.random.normal(ks[16], (N_GENRE, H), dtype=jnp.float32) * 0.02
    inp["MusicEmb"] = jax.random.normal(ks[17], (N_MUSIC, H), dtype=jnp.float32) * 0.02
    return inp


def reference(user_articles, user_moments, user_id, user_age, user_gender,
              music_features, music_singer, music_genre, music_id,
              W_uf, b_uf, W_ml, b_ml, W_sf, b_sf,
              UserEmb, AgeEmb, GenderEmb, SingerEmb, GenreEmb, MusicEmb):
    article = user_articles @ W_uf.T + b_uf            # [B, H]
    moments = user_moments @ W_ml.T + b_ml             # [B, H]
    uemb = jnp.take(UserEmb, user_id, axis=0)          # [B, H]
    age = jnp.take(AgeEmb, user_age, axis=0)           # [B, H]
    gender = jnp.take(GenderEmb, user_gender, axis=0)  # [B, H]
    feature = music_features @ W_sf.T + b_sf           # [B, 1, H]
    feature = jnp.squeeze(feature, axis=1)             # [B, H]
    singers = jnp.squeeze(jnp.take(SingerEmb, music_singer, axis=0), axis=1)
    genre = jnp.squeeze(jnp.take(GenreEmb, music_genre, axis=0), axis=1)
    memb = jnp.squeeze(jnp.take(MusicEmb, music_id, axis=0), axis=1)
    out = jnp.concatenate([uemb, age, gender, article, moments,
                           feature, singers, genre, memb], axis=1)  # [B, 9*H]
    return out

if __name__ == "__main__":
    import jax
    _d = setup_inputs()
    print(jax.jit(kernel)(*tuple(_d.values())))

</pallas_src>

<mosaic_0001>
#map = affine_map<(d0, d1) -> (0, 0)>
#map1 = affine_map<(d0, d1) -> (0)>
module attributes {stable_mosaic.version = 14 : i64} {
  func.func @_sc_gather2_kernel(%arg0: i32, %arg1: i32, %arg2: memref<8192x128xf32, #tpu.memory_space<hbm>>, %arg3: memref<24576x128xf32, #tpu.memory_space<hbm>>, %arg4: memref<16384xi32, #tpu.memory_space<hbm>>, %arg5: memref<16384xi32, #tpu.memory_space<hbm>>, %arg6: memref<16384x128xf32, #tpu.memory_space<hbm>>, %arg7: memref<16384x128xf32, #tpu.memory_space<hbm>>, %arg8: memref<512xi32, #tpu.memory_space<vmem>>, %arg9: memref<512xi32, #tpu.memory_space<vmem>>, %arg10: memref<256x128xf32, #tpu.memory_space<vmem>>, %arg11: memref<256x128xf32, #tpu.memory_space<vmem>>, %arg12: memref<!tpu.dma_semaphore, #tpu.memory_space<semaphore_mem>>, %arg13: memref<!tpu.dma_semaphore, #tpu.memory_space<semaphore_mem>>, %arg14: memref<!tpu.dma_semaphore, #tpu.memory_space<semaphore_mem>>) attributes {dimension_semantics = [#tpu.dimension_semantics<core_parallel>, #tpu.dimension_semantics<subcore_parallel>], iteration_bounds = array<i64: 2, 16>, scalar_prefetch = 0 : i64, scratch_operands = 7 : i64, tpu.core_type = #tpu.core_type<sc_vector_subcore>, window_params = [{transform_indices = #map}, {transform_indices = #map}, {transform_indices = #map1}, {transform_indices = #map1}, {transform_indices = #map}, {transform_indices = #map}]} {
    %mul3A = arith.constant 2 : i32
    %mul3A_0 = arith.muli %arg1, %mul3A : i32
    %add3A = arith.addi %mul3A_0, %arg0 : i32
    %mul3A_1 = arith.constant 512 : i32
    %mul3A_2 = arith.muli %add3A, %mul3A_1 : i32
    "tpu.region"() ({
      %run_scoped3A = tpu.sem_alloc : memref<!tpu.dma_semaphore, #tpu.memory_space<semaphore_mem>>
      %dma_start3A_81 = tpu.memref_slice %arg4[%mul3A_2] : memref<16384xi32, #tpu.memory_space<hbm>> -> memref<512xi32, #tpu.memory_space<hbm>>
      %dma_start3A_82 = tpu.memref_slice %arg4[%mul3A_2] : memref<16384xi32, #tpu.memory_space<hbm>> -> memref<512xi32, #tpu.memory_space<hbm>>
      tpu.enqueue_dma source(%dma_start3A_82 : memref<512xi32, #tpu.memory_space<hbm>>) target(%arg8 : memref<512xi32, #tpu.memory_space<vmem>>) target_semaphore(%run_scoped3A : memref<!tpu.dma_semaphore, #tpu.memory_space<semaphore_mem>>)
      %dma_wait3A_83 = tpu.memref_slice %arg4[%mul3A_2] : memref<16384xi32, #tpu.memory_space<hbm>> -> memref<512xi32, #tpu.memory_space<hbm>>
      %dma_wait3A_84 = tpu.memref_slice %arg4[%mul3A_2] : memref<16384xi32, #tpu.memory_space<hbm>> -> memref<512xi32, #tpu.memory_space<hbm>>
      tpu.wait_dma2 semaphore(%run_scoped3A : memref<!tpu.dma_semaphore, #tpu.memory_space<semaphore_mem>>) src(%dma_wait3A_84 : memref<512xi32, #tpu.memory_space<hbm>>) dst(%arg8 : memref<512xi32, #tpu.memory_space<vmem>>)
      tpu.yield
    }) : () -> ()
    "tpu.region"() ({
      %run_scoped3A = tpu.sem_alloc : memref<!tpu.dma_semaphore, #tpu.memory_space<semaphore_mem>>
      %dma_start3A_81 = tpu.memref_slice %arg5[%mul3A_2] : memref<16384xi32, #tpu.memory_space<hbm>> -> memref<512xi32, #tpu.memory_space<hbm>>
      %dma_start3A_82 = tpu.memref_slice %arg5[%mul3A_2] : memref<16384xi32, #tpu.memory_space<hbm>> -> memref<512xi32, #tpu.memory_space<hbm>>
      tpu.enqueue_dma source(%dma_start3A_82 : memref<512xi32, #tpu.memory_space<hbm>>) target(%arg9 : memref<512xi32, #tpu.memory_space<vmem>>) target_semaphore(%run_scoped3A : memref<!tpu.dma_semaphore, #tpu.memory_space<semaphore_mem>>)
      %dma_wait3A_83 = tpu.memref_slice %arg5[%mul3A_2] : memref<16384xi32, #tpu.memory_space<hbm>> -> memref<512xi32, #tpu.memory_space<hbm>>
      %dma_wait3A_84 = tpu.memref_slice %arg5[%mul3A_2] : memref<16384xi32, #tpu.memory_space<hbm>> -> memref<512xi32, #tpu.memory_space<hbm>>
      tpu.wait_dma2 semaphore(%run_scoped3A : memref<!tpu.dma_semaphore, #tpu.memory_space<semaphore_mem>>) src(%dma_wait3A_84 : memref<512xi32, #tpu.memory_space<hbm>>) dst(%arg9 : memref<512xi32, #tpu.memory_space<vmem>>)
      tpu.yield
    }) : () -> ()
    %dma_start3A = arith.constant 0 : i32
    %dma_start3A_3 = tpu.memref_slice %arg8[%dma_start3A] : memref<512xi32, #tpu.memory_space<vmem>> -> memref<256xi32, #tpu.memory_space<vmem>>
    %dma_start3A_4 = arith.constant 0 : i32
    %dma_start3A_5 = arith.constant 0 : i32
    %dma_start3A_6 = tpu.memref_slice %arg2[%dma_start3A_4, %dma_start3A_5] : memref<8192x128xf32, #tpu.memory_space<hbm>> -> memref<8192x128xf32, #tpu.memory_space<hbm>>
    tpu.enqueue_indirect_dma source(%dma_start3A_6 : memref<8192x128xf32, #tpu.memory_space<hbm>>) target(%arg10 : memref<256x128xf32, #tpu.memory_space<vmem>>) offsets(%dma_start3A_3 : memref<256xi32, #tpu.memory_space<vmem>>) semaphore(%arg12 : memref<!tpu.dma_semaphore, #tpu.memory_space<semaphore_mem>>)
    %dma_wait3A = arith.constant 0 : i32
    %dma_wait3A_7 = tpu.memref_slice %arg8[%dma_wait3A] : memref<512xi32, #tpu.memory_space<vmem>> -> memref<256xi32, #tpu.memory_space<vmem>>
    %dma_wait3A_8 = arith.constant 0 : i32
    %dma_wait3A_9 = arith.constant 0 : i32
    %dma_wait3A_10 = tpu.memref_slice %arg2[%dma_wait3A_8, %dma_wait3A_9] : memref<8192x128xf32, #tpu.memory_space<hbm>> -> memref<8192x128xf32, #tpu.memory_space<hbm>>
    tpu.wait_indirect_dma semaphore(%arg12 : memref<!tpu.dma_semaphore, #tpu.memory_space<semaphore_mem>>) src(%dma_wait3A_10 : memref<8192x128xf32, #tpu.memory_space<hbm>>) dst(%arg10 : memref<256x128xf32, #tpu.memory_space<vmem>>)
    %add3A_11 = arith.constant 0 : i32
    %add3A_12 = arith.addi %mul3A_2, %add3A_11 : i32
    %dma_start3A_13 = arith.constant 0 : i32
    %dma_start3A_14 = tpu.memref_slice %arg6[%add3A_12, %dma_start3A_13] : memref<16384x128xf32, #tpu.memory_space<hbm>> -> memref<256x128xf32, #tpu.memory_space<hbm>>
    %dma_start3A_15 = arith.constant 0 : i32
    %dma_start3A_16 = tpu.memref_slice %arg6[%add3A_12, %dma_start3A_15] : memref<16384x128xf32, #tpu.memory_space<hbm>> -> memref<256x128xf32, #tpu.memory_space<hbm>>
    tpu.enqueue_dma source(%arg10 : memref<256x128xf32, #tpu.memory_space<vmem>>) target(%dma_start3A_16 : memref<256x128xf32, #tpu.memory_space<hbm>>) target_semaphore(%arg13 : memref<!tpu.dma_semaphore, #tpu.memory_space<semaphore_mem>>)
    %dma_start3A_17 = arith.constant 256 : i32
    %dma_start3A_18 = tpu.memref_slice %arg8[%dma_start3A_17] : memref<512xi32, #tpu.memory_space<vmem>> -> memref<256xi32, #tpu.memory_space<vmem>>
    %dma_start3A_19 = arith.constant 0 : i32
    %dma_start3A_20 = arith.constant 0 : i32
    %dma_start3A_21 = tpu.memref_slice %arg2[%dma_start3A_19, %dma_start3A_20] : memref<8192x128xf32, #tpu.memory_space<hbm>> -> memref<8192x128xf32, #tpu.memory_space<hbm>>
    tpu.enqueue_indirect_dma source(%dma_start3A_21 : memref<8192x128xf32, #tpu.memory_space<hbm>>) target(%arg11 : memref<256x128xf32, #tpu.memory_space<vmem>>) offsets(%dma_start3A_18 : memref<256xi32, #tpu.memory_space<vmem>>) semaphore(%arg12 : memref<!tpu.dma_semaphore, #tpu.memory_space<semaphore_mem>>)
    %dma_wait3A_22 = arith.constant 256 : i32
    %dma_wait3A_23 = tpu.memref_slice %arg8[%dma_wait3A_22] : memref<512xi32, #tpu.memory_space<vmem>> -> memref<256xi32, #tpu.memory_space<vmem>>
    %dma_wait3A_24 = arith.constant 0 : i32
    %dma_wait3A_25 = arith.constant 0 : i32
    %dma_wait3A_26 = tpu.memref_slice %arg2[%dma_wait3A_24, %dma_wait3A_25] : memref<8192x128xf32, #tpu.memory_space<hbm>> -> memref<8192x128xf32, #tpu.memory_space<hbm>>
    tpu.wait_indirect_dma semaphore(%arg12 : memref<!tpu.dma_semaphore, #tpu.memory_space<semaphore_mem>>) src(%dma_wait3A_26 : memref<8192x128xf32, #tpu.memory_space<hbm>>) dst(%arg11 : memref<256x128xf32, #tpu.memory_space<vmem>>)
    %add3A_27 = arith.constant 256 : i32
    %add3A_28 = arith.addi %mul3A_2, %add3A_27 : i32
    %dma_start3A_29 = arith.constant 0 : i32
    %dma_start3A_30 = tpu.memref_slice %arg6[%add3A_28, %dma_start3A_29] : memref<16384x128xf32, #tpu.memory_space<hbm>> -> memref<256x128xf32, #tpu.memory_space<hbm>>
    %dma_start3A_31 = arith.constant 0 : i32
    %dma_start3A_32 = tpu.memref_slice %arg6[%add3A_28, %dma_start3A_31] : memref<16384x128xf32, #tpu.memory_space<hbm>> -> memref<256x128xf32, #tpu.memory_space<hbm>>
    tpu.enqueue_dma source(%arg11 : memref<256x128xf32, #tpu.memory_space<vmem>>) target(%dma_start3A_32 : memref<256x128xf32, #tpu.memory_space<hbm>>) target_semaphore(%arg14 : memref<!tpu.dma_semaphore, #tpu.memory_space<semaphore_mem>>)
    %dma_wait3A_33 = arith.constant 0 : i32
    %dma_wait3A_34 = tpu.memref_slice %arg6[%add3A_12, %dma_wait3A_33] : memref<16384x128xf32, #tpu.memory_space<hbm>> -> memref<256x128xf32, #tpu.memory_space<hbm>>
    %dma_wait3A_35 = arith.constant 0 : i32
    %dma_wait3A_36 = tpu.memref_slice %arg6[%add3A_12, %dma_wait3A_35] : memref<16384x128xf32, #tpu.memory_space<hbm>> -> memref<256x128xf32, #tpu.memory_space<hbm>>
    tpu.wait_dma2 semaphore(%arg13 : memref<!tpu.dma_semaphore, #tpu.memory_space<semaphore_mem>>) src(%arg10 : memref<256x128xf32, #tpu.memory_space<vmem>>) dst(%dma_wait3A_36 : memref<256x128xf32, #tpu.memory_space<hbm>>)
    %dma_start3A_37 = arith.constant 0 : i32
    %dma_start3A_38 = tpu.memref_slice %arg9[%dma_start3A_37] : memref<512xi32, #tpu.memory_space<vmem>> -> memref<256xi32, #tpu.memory_space<vmem>>
    %dma_start3A_39 = arith.constant 0 : i32
    %dma_start3A_40 = arith.constant 0 : i32
    %dma_start3A_41 = tpu.memref_slice %arg3[%dma_start3A_39, %dma_start3A_40] : memref<24576x128xf32, #tpu.memory_space<hbm>> -> memref<24576x128xf32, #tpu.memory_space<hbm>>
    tpu.enqueue_indirect_dma source(%dma_start3A_41 : memref<24576x128xf32, #tpu.memory_space<hbm>>) target(%arg10 : memref<256x128xf32, #tpu.memory_space<vmem>>) offsets(%dma_start3A_38 : memref<256xi32, #tpu.memory_space<vmem>>) semaphore(%arg12 : memref<!tpu.dma_semaphore, #tpu.memory_space<semaphore_mem>>)
    %dma_wait3A_42 = arith.constant 0 : i32
    %dma_wait3A_43 = tpu.memref_slice %arg9[%dma_wait3A_42] : memref<512xi32, #tpu.memory_space<vmem>> -> memref<256xi32, #tpu.memory_space<vmem>>
    %dma_wait3A_44 = arith.constant 0 : i32
    %dma_wait3A_45 = arith.constant 0 : i32
    %dma_wait3A_46 = tpu.memref_slice %arg3[%dma_wait3A_44, %dma_wait3A_45] : memref<24576x128xf32, #tpu.memory_space<hbm>> -> memref<24576x128xf32, #tpu.memory_space<hbm>>
    tpu.wait_indirect_dma semaphore(%arg12 : memref<!tpu.dma_semaphore, #tpu.memory_space<semaphore_mem>>) src(%dma_wait3A_46 : memref<24576x128xf32, #tpu.memory_space<hbm>>) dst(%arg10 : memref<256x128xf32, #tpu.memory_space<vmem>>)
    %add3A_47 = arith.constant 0 : i32
    %add3A_48 = arith.addi %mul3A_2, %add3A_47 : i32
    %dma_start3A_49 = arith.constant 0 : i32
    %dma_start3A_50 = tpu.memref_slice %arg7[%add3A_48, %dma_start3A_49] : memref<16384x128xf32, #tpu.memory_space<hbm>> -> memref<256x128xf32, #tpu.memory_space<hbm>>
    %dma_start3A_51 = arith.constant 0 : i32
    %dma_start3A_52 = tpu.memref_slice %arg7[%add3A_48, %dma_start3A_51] : memref<16384x128xf32, #tpu.memory_space<hbm>> -> memref<256x128xf32, #tpu.memory_space<hbm>>
    tpu.enqueue_dma source(%arg10 : memref<256x128xf32, #tpu.memory_space<vmem>>) target(%dma_start3A_52 : memref<256x128xf32, #tpu.memory_space<hbm>>) target_semaphore(%arg13 : memref<!tpu.dma_semaphore, #tpu.memory_space<semaphore_mem>>)
    %dma_wait3A_53 = arith.constant 0 : i32
    %dma_wait3A_54 = tpu.memref_slice %arg6[%add3A_28, %dma_wait3A_53] : memref<16384x128xf32, #tpu.memory_space<hbm>> -> memref<256x128xf32, #tpu.memory_space<hbm>>
    %dma_wait3A_55 = arith.constant 0 : i32
    %dma_wait3A_56 = tpu.memref_slice %arg6[%add3A_28, %dma_wait3A_55] : memref<16384x128xf32, #tpu.memory_space<hbm>> -> memref<256x128xf32, #tpu.memory_space<hbm>>
    tpu.wait_dma2 semaphore(%arg14 : memref<!tpu.dma_semaphore, #tpu.memory_space<semaphore_mem>>) src(%arg11 : memref<256x128xf32, #tpu.memory_space<vmem>>) dst(%dma_wait3A_56 : memref<256x128xf32, #tpu.memory_space<hbm>>)
    %dma_start3A_57 = arith.constant 256 : i32
    %dma_start3A_58 = tpu.memref_slice %arg9[%dma_start3A_57] : memref<512xi32, #tpu.memory_space<vmem>> -> memref<256xi32, #tpu.memory_space<vmem>>
    %dma_start3A_59 = arith.constant 0 : i32
    %dma_start3A_60 = arith.constant 0 : i32
    %dma_start3A_61 = tpu.memref_slice %arg3[%dma_start3A_59, %dma_start3A_60] : memref<24576x128xf32, #tpu.memory_space<hbm>> -> memref<24576x128xf32, #tpu.memory_space<hbm>>
    tpu.enqueue_indirect_dma source(%dma_start3A_61 : memref<24576x128xf32, #tpu.memory_space<hbm>>) target(%arg11 : memref<256x128xf32, #tpu.memory_space<vmem>>) offsets(%dma_start3A_58 : memref<256xi32, #tpu.memory_space<vmem>>) semaphore(%arg12 : memref<!tpu.dma_semaphore, #tpu.memory_space<semaphore_mem>>)
    %dma_wait3A_62 = arith.constant 256 : i32
    %dma_wait3A_63 = tpu.memref_slice %arg9[%dma_wait3A_62] : memref<512xi32, #tpu.memory_space<vmem>> -> memref<256xi32, #tpu.memory_space<vmem>>
    %dma_wait3A_64 = arith.constant 0 : i32
    %dma_wait3A_65 = arith.constant 0 : i32
    %dma_wait3A_66 = tpu.memref_slice %arg3[%dma_wait3A_64, %dma_wait3A_65] : memref<24576x128xf32, #tpu.memory_space<hbm>> -> memref<24576x128xf32, #tpu.memory_space<hbm>>
    tpu.wait_indirect_dma semaphore(%arg12 : memref<!tpu.dma_semaphore, #tpu.memory_space<semaphore_mem>>) src(%dma_wait3A_66 : memref<24576x128xf32, #tpu.memory_space<hbm>>) dst(%arg11 : memref<256x128xf32, #tpu.memory_space<vmem>>)
    %add3A_67 = arith.constant 256 : i32
    %add3A_68 = arith.addi %mul3A_2, %add3A_67 : i32
    %dma_start3A_69 = arith.constant 0 : i32
    %dma_start3A_70 = tpu.memref_slice %arg7[%add3A_68, %dma_start3A_69] : memref<16384x128xf32, #tpu.memory_space<hbm>> -> memref<256x128xf32, #tpu.memory_space<hbm>>
    %dma_start3A_71 = arith.constant 0 : i32
    %dma_start3A_72 = tpu.memref_slice %arg7[%add3A_68, %dma_start3A_71] : memref<16384x128xf32, #tpu.memory_space<hbm>> -> memref<256x128xf32, #tpu.memory_space<hbm>>
    tpu.enqueue_dma source(%arg11 : memref<256x128xf32, #tpu.memory_space<vmem>>) target(%dma_start3A_72 : memref<256x128xf32, #tpu.memory_space<hbm>>) target_semaphore(%arg14 : memref<!tpu.dma_semaphore, #tpu.memory_space<semaphore_mem>>)
    %dma_wait3A_73 = arith.constant 0 : i32
    %dma_wait3A_74 = tpu.memref_slice %arg7[%add3A_48, %dma_wait3A_73] : memref<16384x128xf32, #tpu.memory_space<hbm>> -> memref<256x128xf32, #tpu.memory_space<hbm>>
    %dma_wait3A_75 = arith.constant 0 : i32
    %dma_wait3A_76 = tpu.memref_slice %arg7[%add3A_48, %dma_wait3A_75] : memref<16384x128xf32, #tpu.memory_space<hbm>> -> memref<256x128xf32, #tpu.memory_space<hbm>>
    tpu.wait_dma2 semaphore(%arg13 : memref<!tpu.dma_semaphore, #tpu.memory_space<semaphore_mem>>) src(%arg10 : memref<256x128xf32, #tpu.memory_space<vmem>>) dst(%dma_wait3A_76 : memref<256x128xf32, #tpu.memory_space<hbm>>)
    %dma_wait3A_77 = arith.constant 0 : i32
    %dma_wait3A_78 = tpu.memref_slice %arg7[%add3A_68, %dma_wait3A_77] : memref<16384x128xf32, #tpu.memory_space<hbm>> -> memref<256x128xf32, #tpu.memory_space<hbm>>
    %dma_wait3A_79 = arith.constant 0 : i32
    %dma_wait3A_80 = tpu.memref_slice %arg7[%add3A_68, %dma_wait3A_79] : memref<16384x128xf32, #tpu.memory_space<hbm>> -> memref<256x128xf32, #tpu.memory_space<hbm>>
    tpu.wait_dma2 semaphore(%arg14 : memref<!tpu.dma_semaphore, #tpu.memory_space<semaphore_mem>>) src(%arg11 : memref<256x128xf32, #tpu.memory_space<vmem>>) dst(%dma_wait3A_80 : memref<256x128xf32, #tpu.memory_space<hbm>>)
    return
  }
}

#map = affine_map<(d0, d1) -> (0, 0)>
#map1 = affine_map<(d0, d1) -> (0)>
module attributes {stable_mosaic.version = 14 : i64} {
  func.func @_sc_gather1_kernel(%arg0: i32, %arg1: i32, %arg2: memref<98304x128xf32, #tpu.memory_space<hbm>>, %arg3: memref<16384xi32, #tpu.memory_space<hbm>>, %arg4: memref<16384x128xf32, #tpu.memory_space<hbm>>, %arg5: memref<512xi32, #tpu.memory_space<vmem>>, %arg6: memref<256x128xf32, #tpu.memory_space<vmem>>, %arg7: memref<256x128xf32, #tpu.memory_space<vmem>>, %arg8: memref<!tpu.dma_semaphore, #tpu.memory_space<semaphore_mem>>, %arg9: memref<!tpu.dma_semaphore, #tpu.memory_space<semaphore_mem>>, %arg10: memref<!tpu.dma_semaphore, #tpu.memory_space<semaphore_mem>>) attributes {dimension_semantics = [#tpu.dimension_semantics<core_parallel>, #tpu.dimension_semantics<subcore_parallel>], iteration_bounds = array<i64: 2, 16>, scalar_prefetch = 0 : i64, scratch_operands = 6 : i64, tpu.core_type = #tpu.core_type<sc_vector_subcore>, window_params = [{transform_indices = #map}, {transform_indices = #map1}, {transform_indices = #map}]} {
    %mul3A = arith.constant 2 : i32
    %mul3A_0 = arith.muli %arg1, %mul3A : i32
    %add3A = arith.addi %mul3A_0, %arg0 : i32
    %mul3A_1 = arith.constant 512 : i32
    %mul3A_2 = arith.muli %add3A, %mul3A_1 : i32
    "tpu.region"() ({
      %run_scoped3A = tpu.sem_alloc : memref<!tpu.dma_semaphore, #tpu.memory_space<semaphore_mem>>
      %dma_start3A_41 = tpu.memref_slice %arg3[%mul3A_2] : memref<16384xi32, #tpu.memory_space<hbm>> -> memref<512xi32, #tpu.memory_space<hbm>>
      %dma_start3A_42 = tpu.memref_slice %arg3[%mul3A_2] : memref<16384xi32, #tpu.memory_space<hbm>> -> memref<512xi32, #tpu.memory_space<hbm>>
      tpu.enqueue_dma source(%dma_start3A_42 : memref<512xi32, #tpu.memory_space<hbm>>) target(%arg5 : memref<512xi32, #tpu.memory_space<vmem>>) target_semaphore(%run_scoped3A : memref<!tpu.dma_semaphore, #tpu.memory_space<semaphore_mem>>)
      %dma_wait3A_43 = tpu.memref_slice %arg3[%mul3A_2] : memref<16384xi32, #tpu.memory_space<hbm>> -> memref<512xi32, #tpu.memory_space<hbm>>
      %dma_wait3A_44 = tpu.memref_slice %arg3[%mul3A_2] : memref<16384xi32, #tpu.memory_space<hbm>> -> memref<512xi32, #tpu.memory_space<hbm>>
      tpu.wait_dma2 semaphore(%run_scoped3A : memref<!tpu.dma_semaphore, #tpu.memory_space<semaphore_mem>>) src(%dma_wait3A_44 : memref<512xi32, #tpu.memory_space<hbm>>) dst(%arg5 : memref<512xi32, #tpu.memory_space<vmem>>)
      tpu.yield
    }) : () -> ()
    %dma_start3A = arith.constant 0 : i32
    %dma_start3A_3 = tpu.memref_slice %arg5[%dma_start3A] : memref<512xi32, #tpu.memory_space<vmem>> -> memref<256xi32, #tpu.memory_space<vmem>>
    %dma_start3A_4 = arith.constant 0 : i32
    %dma_start3A_5 = arith.constant 0 : i32
    %dma_start3A_6 = tpu.memref_slice %arg2[%dma_start3A_4, %dma_start3A_5] : memref<98304x128xf32, #tpu.memory_space<hbm>> -> memref<98304x128xf32, #tpu.memory_space<hbm>>
    tpu.enqueue_indirect_dma source(%dma_start3A_6 : memref<98304x128xf32, #tpu.memory_space<hbm>>) target(%arg6 : memref<256x128xf32, #tpu.memory_space<vmem>>) offsets(%dma_start3A_3 : memref<256xi32, #tpu.memory_space<vmem>>) semaphore(%arg8 : memref<!tpu.dma_semaphore, #tpu.memory_space<semaphore_mem>>)
    %dma_wait3A = arith.constant 0 : i32
    %dma_wait3A_7 = tpu.memref_slice %arg5[%dma_wait3A] : memref<512xi32, #tpu.memory_space<vmem>> -> memref<256xi32, #tpu.memory_space<vmem>>
    %dma_wait3A_8 = arith.constant 0 : i32
    %dma_wait3A_9 = arith.constant 0 : i32
    %dma_wait3A_10 = tpu.memref_slice %arg2[%dma_wait3A_8, %dma_wait3A_9] : memref<98304x128xf32, #tpu.memory_space<hbm>> -> memref<98304x128xf32, #tpu.memory_space<hbm>>
    tpu.wait_indirect_dma semaphore(%arg8 : memref<!tpu.dma_semaphore, #tpu.memory_space<semaphore_mem>>) src(%dma_wait3A_10 : memref<98304x128xf32, #tpu.memory_space<hbm>>) dst(%arg6 : memref<256x128xf32, #tpu.memory_space<vmem>>)
    %add3A_11 = arith.constant 0 : i32
    %add3A_12 = arith.addi %mul3A_2, %add3A_11 : i32
    %dma_start3A_13 = arith.constant 0 : i32
    %dma_start3A_14 = tpu.memref_slice %arg4[%add3A_12, %dma_start3A_13] : memref<16384x128xf32, #tpu.memory_space<hbm>> -> memref<256x128xf32, #tpu.memory_space<hbm>>
    %dma_start3A_15 = arith.constant 0 : i32
    %dma_start3A_16 = tpu.memref_slice %arg4[%add3A_12, %dma_start3A_15] : memref<16384x128xf32, #tpu.memory_space<hbm>> -> memref<256x128xf32, #tpu.memory_space<hbm>>
    tpu.enqueue_dma source(%arg6 : memref<256x128xf32, #tpu.memory_space<vmem>>) target(%dma_start3A_16 : memref<256x128xf32, #tpu.memory_space<hbm>>) target_semaphore(%arg9 : memref<!tpu.dma_semaphore, #tpu.memory_space<semaphore_mem>>)
    %dma_start3A_17 = arith.constant 256 : i32
    %dma_start3A_18 = tpu.memref_slice %arg5[%dma_start3A_17] : memref<512xi32, #tpu.memory_space<vmem>> -> memref<256xi32, #tpu.memory_space<vmem>>
    %dma_start3A_19 = arith.constant 0 : i32
    %dma_start3A_20 = arith.constant 0 : i32
    %dma_start3A_21 = tpu.memref_slice %arg2[%dma_start3A_19, %dma_start3A_20] : memref<98304x128xf32, #tpu.memory_space<hbm>> -> memref<98304x128xf32, #tpu.memory_space<hbm>>
    tpu.enqueue_indirect_dma source(%dma_start3A_21 : memref<98304x128xf32, #tpu.memory_space<hbm>>) target(%arg7 : memref<256x128xf32, #tpu.memory_space<vmem>>) offsets(%dma_start3A_18 : memref<256xi32, #tpu.memory_space<vmem>>) semaphore(%arg8 : memref<!tpu.dma_semaphore, #tpu.memory_space<semaphore_mem>>)
    %dma_wait3A_22 = arith.constant 256 : i32
    %dma_wait3A_23 = tpu.memref_slice %arg5[%dma_wait3A_22] : memref<512xi32, #tpu.memory_space<vmem>> -> memref<256xi32, #tpu.memory_space<vmem>>
    %dma_wait3A_24 = arith.constant 0 : i32
    %dma_wait3A_25 = arith.constant 0 : i32
    %dma_wait3A_26 = tpu.memref_slice %arg2[%dma_wait3A_24, %dma_wait3A_25] : memref<98304x128xf32, #tpu.memory_space<hbm>> -> memref<98304x128xf32, #tpu.memory_space<hbm>>
    tpu.wait_indirect_dma semaphore(%arg8 : memref<!tpu.dma_semaphore, #tpu.memory_space<semaphore_mem>>) src(%dma_wait3A_26 : memref<98304x128xf32, #tpu.memory_space<hbm>>) dst(%arg7 : memref<256x128xf32, #tpu.memory_space<vmem>>)
    %add3A_27 = arith.constant 256 : i32
    %add3A_28 = arith.addi %mul3A_2, %add3A_27 : i32
    %dma_start3A_29 = arith.constant 0 : i32
    %dma_start3A_30 = tpu.memref_slice %arg4[%add3A_28, %dma_start3A_29] : memref<16384x128xf32, #tpu.memory_space<hbm>> -> memref<256x128xf32, #tpu.memory_space<hbm>>
    %dma_start3A_31 = arith.constant 0 : i32
    %dma_start3A_32 = tpu.memref_slice %arg4[%add3A_28, %dma_start3A_31] : memref<16384x128xf32, #tpu.memory_space<hbm>> -> memref<256x128xf32, #tpu.memory_space<hbm>>
    tpu.enqueue_dma source(%arg7 : memref<256x128xf32, #tpu.memory_space<vmem>>) target(%dma_start3A_32 : memref<256x128xf32, #tpu.memory_space<hbm>>) target_semaphore(%arg10 : memref<!tpu.dma_semaphore, #tpu.memory_space<semaphore_mem>>)
    %dma_wait3A_33 = arith.constant 0 : i32
    %dma_wait3A_34 = tpu.memref_slice %arg4[%add3A_12, %dma_wait3A_33] : memref<16384x128xf32, #tpu.memory_space<hbm>> -> memref<256x128xf32, #tpu.memory_space<hbm>>
    %dma_wait3A_35 = arith.constant 0 : i32
    %dma_wait3A_36 = tpu.memref_slice %arg4[%add3A_12, %dma_wait3A_35] : memref<16384x128xf32, #tpu.memory_space<hbm>> -> memref<256x128xf32, #tpu.memory_space<hbm>>
    tpu.wait_dma2 semaphore(%arg9 : memref<!tpu.dma_semaphore, #tpu.memory_space<semaphore_mem>>) src(%arg6 : memref<256x128xf32, #tpu.memory_space<vmem>>) dst(%dma_wait3A_36 : memref<256x128xf32, #tpu.memory_space<hbm>>)
    %dma_wait3A_37 = arith.constant 0 : i32
    %dma_wait3A_38 = tpu.memref_slice %arg4[%add3A_28, %dma_wait3A_37] : memref<16384x128xf32, #tpu.memory_space<hbm>> -> memref<256x128xf32, #tpu.memory_space<hbm>>
    %dma_wait3A_39 = arith.constant 0 : i32
    %dma_wait3A_40 = tpu.memref_slice %arg4[%add3A_28, %dma_wait3A_39] : memref<16384x128xf32, #tpu.memory_space<hbm>> -> memref<256x128xf32, #tpu.memory_space<hbm>>
    tpu.wait_dma2 semaphore(%arg10 : memref<!tpu.dma_semaphore, #tpu.memory_space<semaphore_mem>>) src(%arg7 : memref<256x128xf32, #tpu.memory_space<vmem>>) dst(%dma_wait3A_40 : memref<256x128xf32, #tpu.memory_space<hbm>>)
    return
  }
}

module attributes {stable_mosaic.version = 14 : i64} {
  func.func @_pack_kernel(%arg0: i32, %arg1: memref<64x16384xf32, #tpu.memory_space<vmem>>, %arg2: memref<8192x128xf32, #tpu.memory_space<vmem>>) attributes {dimension_semantics = [#tpu.dimension_semantics<parallel>], iteration_bounds = array<i64: 3>, scalar_prefetch = 0 : i64, scratch_operands = 0 : i64, tpu.core_type = #tpu.core_type<tc>, window_params = [{transform_indices = @transform_0, window_bounds = array<i64: 64, 16384>}, {transform_indices = @transform_1, window_bounds = array<i64: 8192, 128>}]} {
    %get3A = arith.constant 0 : index
    %get3A_0 = arith.constant 0 : index
    %get3A_1 = vector.load %arg1[%get3A, %get3A_0] : memref<64x16384xf32, #tpu.memory_space<vmem>>, vector<64x4096xf32>
    %transpose3A = tpu.transpose %get3A_1, [1, 0] : vector<64x4096xf32> -> vector<4096x64xf32>
    %get3A_2 = arith.constant 0 : index
    %get3A_3 = arith.constant 4096 : index
    %get3A_4 = vector.load %arg1[%get3A_2, %get3A_3] : memref<64x16384xf32, #tpu.memory_space<vmem>>, vector<64x4096xf32>
    %transpose3A_5 = tpu.transpose %get3A_4, [1, 0] : vector<64x4096xf32> -> vector<4096x64xf32>
    %get3A_6 = arith.constant 0 : index
    %get3A_7 = arith.constant 8192 : index
    %get3A_8 = vector.load %arg1[%get3A_6, %get3A_7] : memref<64x16384xf32, #tpu.memory_space<vmem>>, vector<64x4096xf32>
    %transpose3A_9 = tpu.transpose %get3A_8, [1, 0] : vector<64x4096xf32> -> vector<4096x64xf32>
    %get3A_10 = arith.constant 0 : index
    %get3A_11 = arith.constant 12288 : index
    %get3A_12 = vector.load %arg1[%get3A_10, %get3A_11] : memref<64x16384xf32, #tpu.memory_space<vmem>>, vector<64x4096xf32>
    %transpose3A_13 = tpu.transpose %get3A_12, [1, 0] : vector<64x4096xf32> -> vector<4096x64xf32>
    %concatenate3A = tpu.concatenate %transpose3A, %transpose3A_5 in 0 : vector<4096x64xf32>, vector<4096x64xf32> -> vector<8192x64xf32>
    %concatenate3A_14 = tpu.concatenate %transpose3A_9, %transpose3A_13 in 0 : vector<4096x64xf32>, vector<4096x64xf32> -> vector<8192x64xf32>
    %concatenate3A_15 = tpu.concatenate %concatenate3A, %concatenate3A_14 in 1 : vector<8192x64xf32>, vector<8192x64xf32> -> vector<8192x128xf32>
    %swap3A = arith.constant 0 : index
    %swap3A_16 = arith.constant 0 : index
    %swap3A_17 = vector.load %arg2[%swap3A, %swap3A_16] : memref<8192x128xf32, #tpu.memory_space<vmem>>, vector<8192x128xf32>
    tpu.vector_store %arg2[%swap3A, %swap3A_16], %concatenate3A_15 {strides = array<i32>} : memref<8192x128xf32, #tpu.memory_space<vmem>>, vector<8192x128xf32>,
    return
  }
  func.func @transform_0(%arg0: i32) -> (i32, i32) {
    %c0_i32 = arith.constant 0 : i32
    %c0_i32_0 = arith.constant 0 : i32
    return %c0_i32, %arg0 : i32, i32
  }
  func.func @transform_1(%arg0: i32) -> (i32, i32) {
    %c0_i32 = arith.constant 0 : i32
    %c0_i32_0 = arith.constant 0 : i32
    return %arg0, %c0_i32 : i32, i32
  }
}

module attributes {stable_mosaic.version = 14 : i64} {
  func.func @_pack_kernel(%arg0: i32, %arg1: memref<64x16384xf32, #tpu.memory_space<vmem>>, %arg2: memref<8192x128xf32, #tpu.memory_space<vmem>>) attributes {dimension_semantics = [#tpu.dimension_semantics<parallel>], iteration_bounds = array<i64: 12>, scalar_prefetch = 0 : i64, scratch_operands = 0 : i64, tpu.core_type = #tpu.core_type<tc>, window_params = [{transform_indices = @transform_0, window_bounds = array<i64: 64, 16384>}, {transform_indices = @transform_1, window_bounds = array<i64: 8192, 128>}]} {
    %get3A = arith.constant 0 : index
    %get3A_0 = arith.constant 0 : index
    %get3A_1 = vector.load %arg1[%get3A, %get3A_0] : memref<64x16384xf32, #tpu.memory_space<vmem>>, vector<64x4096xf32>
    %transpose3A = tpu.transpose %get3A_1, [1, 0] : vector<64x4096xf32> -> vector<4096x64xf32>
    %get3A_2 = arith.constant 0 : index
    %get3A_3 = arith.constant 4096 : index
    %get3A_4 = vector.load %arg1[%get3A_2, %get3A_3] : memref<64x16384xf32, #tpu.memory_space<vmem>>, vector<64x4096xf32>
    %transpose3A_5 = tpu.transpose %get3A_4, [1, 0] : vector<64x4096xf32> -> vector<4096x64xf32>
    %get3A_6 = arith.constant 0 : index
    %get3A_7 = arith.constant 8192 : index
    %get3A_8 = vector.load %arg1[%get3A_6, %get3A_7] : memref<64x16384xf32, #tpu.memory_space<vmem>>, vector<64x4096xf32>
    %transpose3A_9 = tpu.transpose %get3A_8, [1, 0] : vector<64x4096xf32> -> vector<4096x64xf32>
    %get3A_10 = arith.constant 0 : index
    %get3A_11 = arith.constant 12288 : index
    %get3A_12 = vector.load %arg1[%get3A_10, %get3A_11] : memref<64x16384xf32, #tpu.memory_space<vmem>>, vector<64x4096xf32>
    %transpose3A_13 = tpu.transpose %get3A_12, [1, 0] : vector<64x4096xf32> -> vector<4096x64xf32>
    %concatenate3A = tpu.concatenate %transpose3A, %transpose3A_5 in 0 : vector<4096x64xf32>, vector<4096x64xf32> -> vector<8192x64xf32>
    %concatenate3A_14 = tpu.concatenate %transpose3A_9, %transpose3A_13 in 0 : vector<4096x64xf32>, vector<4096x64xf32> -> vector<8192x64xf32>
    %concatenate3A_15 = tpu.concatenate %concatenate3A, %concatenate3A_14 in 1 : vector<8192x64xf32>, vector<8192x64xf32> -> vector<8192x128xf32>
    %swap3A = arith.constant 0 : index
    %swap3A_16 = arith.constant 0 : index
    %swap3A_17 = vector.load %arg2[%swap3A, %swap3A_16] : memref<8192x128xf32, #tpu.memory_space<vmem>>, vector<8192x128xf32>
    tpu.vector_store %arg2[%swap3A, %swap3A_16], %concatenate3A_15 {strides = array<i32>} : memref<8192x128xf32, #tpu.memory_space<vmem>>, vector<8192x128xf32>,
    return
  }
  func.func @transform_0(%arg0: i32) -> (i32, i32) {
    %c0_i32 = arith.constant 0 : i32
    %c0_i32_0 = arith.constant 0 : i32
    return %c0_i32, %arg0 : i32, i32
  }
  func.func @transform_1(%arg0: i32) -> (i32, i32) {
    %c0_i32 = arith.constant 0 : i32
    %c0_i32_0 = arith.constant 0 : i32
    return %arg0, %c0_i32 : i32, i32
  }
}

module attributes {stable_mosaic.version = 14 : i64} {
  func.func @_pack_kernel(%arg0: i32, %arg1: memref<64x16384xf32, #tpu.memory_space<vmem>>, %arg2: memref<8192x128xf32, #tpu.memory_space<vmem>>) attributes {dimension_semantics = [#tpu.dimension_semantics<parallel>], iteration_bounds = array<i64: 1>, scalar_prefetch = 0 : i64, scratch_operands = 0 : i64, tpu.core_type = #tpu.core_type<tc>, window_params = [{transform_indices = @transform_0, window_bounds = array<i64: 64, 16384>}, {transform_indices = @transform_1, window_bounds = array<i64: 8192, 128>}]} {
    %get3A = arith.constant 0 : index
    %get3A_0 = arith.constant 0 : index
    %get3A_1 = vector.load %arg1[%get3A, %get3A_0] : memref<64x16384xf32, #tpu.memory_space<vmem>>, vector<64x4096xf32>
    %transpose3A = tpu.transpose %get3A_1, [1, 0] : vector<64x4096xf32> -> vector<4096x64xf32>
    %get3A_2 = arith.constant 0 : index
    %get3A_3 = arith.constant 4096 : index
    %get3A_4 = vector.load %arg1[%get3A_2, %get3A_3] : memref<64x16384xf32, #tpu.memory_space<vmem>>, vector<64x4096xf32>
    %transpose3A_5 = tpu.transpose %get3A_4, [1, 0] : vector<64x4096xf32> -> vector<4096x64xf32>
    %get3A_6 = arith.constant 0 : index
    %get3A_7 = arith.constant 8192 : index
    %get3A_8 = vector.load %arg1[%get3A_6, %get3A_7] : memref<64x16384xf32, #tpu.memory_space<vmem>>, vector<64x4096xf32>
    %transpose3A_9 = tpu.transpose %get3A_8, [1, 0] : vector<64x4096xf32> -> vector<4096x64xf32>
    %get3A_10 = arith.constant 0 : index
    %get3A_11 = arith.constant 12288 : index
    %get3A_12 = vector.load %arg1[%get3A_10, %get3A_11] : memref<64x16384xf32, #tpu.memory_space<vmem>>, vector<64x4096xf32>
    %transpose3A_13 = tpu.transpose %get3A_12, [1, 0] : vector<64x4096xf32> -> vector<4096x64xf32>
    %concatenate3A = tpu.concatenate %transpose3A, %transpose3A_5 in 0 : vector<4096x64xf32>, vector<4096x64xf32> -> vector<8192x64xf32>
    %concatenate3A_14 = tpu.concatenate %transpose3A_9, %transpose3A_13 in 0 : vector<4096x64xf32>, vector<4096x64xf32> -> vector<8192x64xf32>
    %concatenate3A_15 = tpu.concatenate %concatenate3A, %concatenate3A_14 in 1 : vector<8192x64xf32>, vector<8192x64xf32> -> vector<8192x128xf32>
    %swap3A = arith.constant 0 : index
    %swap3A_16 = arith.constant 0 : index
    %swap3A_17 = vector.load %arg2[%swap3A, %swap3A_16] : memref<8192x128xf32, #tpu.memory_space<vmem>>, vector<8192x128xf32>
    tpu.vector_store %arg2[%swap3A, %swap3A_16], %concatenate3A_15 {strides = array<i32>} : memref<8192x128xf32, #tpu.memory_space<vmem>>, vector<8192x128xf32>,
    return
  }
  func.func @transform_0(%arg0: i32) -> (i32, i32) {
    %c0_i32 = arith.constant 0 : i32
    %c0_i32_0 = arith.constant 0 : i32
    return %c0_i32, %arg0 : i32, i32
  }
  func.func @transform_1(%arg0: i32) -> (i32, i32) {
    %c0_i32 = arith.constant 0 : i32
    %c0_i32_0 = arith.constant 0 : i32
    return %arg0, %c0_i32 : i32, i32
  }
}

module attributes {stable_mosaic.version = 14 : i64} {
  func.func @_tc_kernel(%arg0: i32, %arg1: memref<1024x128xf32, #tpu.memory_space<vmem>>, %arg2: memref<1024x128xf32, #tpu.memory_space<vmem>>, %arg3: memref<1024x128xf32, #tpu.memory_space<vmem>>, %arg4: memref<200x1024xf32, #tpu.memory_space<vmem>>, %arg5: memref<64x1024xf32, #tpu.memory_space<vmem>>, %arg6: memref<1024x128xf32, #tpu.memory_space<vmem>>, %arg7: memref<6x1x1024xi32, #tpu.memory_space<vmem>>, %arg8: memref<64x200xf32, #tpu.memory_space<vmem>>, %arg9: memref<64x64xf32, #tpu.memory_space<vmem>>, %arg10: memref<64x128xf32, #tpu.memory_space<vmem>>, %arg11: memref<64x3xf32, #tpu.memory_space<vmem>>, %arg12: memref<6x64xf32, #tpu.memory_space<vmem>>, %arg13: memref<2x64xf32, #tpu.memory_space<vmem>>, %arg14: memref<18x64xf32, #tpu.memory_space<vmem>>, %arg15: memref<576x1024xf32, #tpu.memory_space<vmem>>) attributes {dimension_semantics = [#tpu.dimension_semantics<parallel>], iteration_bounds = array<i64: 16>, scalar_prefetch = 0 : i64, scratch_operands = 0 : i64, tpu.core_type = #tpu.core_type<tc>, window_params = [{transform_indices = @transform_0, window_bounds = array<i64: 1024, 128>}, {transform_indices = @transform_1, window_bounds = array<i64: 1024, 128>}, {transform_indices = @transform_2, window_bounds = array<i64: 1024, 128>}, {transform_indices = @transform_3, window_bounds = array<i64: 200, 1024>}, {transform_indices = @transform_4, window_bounds = array<i64: 64, 1024>}, {transform_indices = @transform_5, window_bounds = array<i64: 1024, 128>}, {transform_indices = @transform_6, window_bounds = array<i64: 6, 1, 1024>}, {pipeline_mode = #tpu.pipeline_mode<synchronous>, transform_indices = @transform_7, window_bounds = array<i64: 64, 200>}, {pipeline_mode = #tpu.pipeline_mode<synchronous>, transform_indices = @transform_8, window_bounds = array<i64: 64, 64>}, {pipeline_mode = #tpu.pipeline_mode<synchronous>, transform_indices = @transform_9, window_bounds = array<i64: 64, 128>}, {pipeline_mode = #tpu.pipeline_mode<synchronous>, transform_indices = @transform_10, window_bounds = array<i64: 64, 3>}, {pipeline_mode = #tpu.pipeline_mode<synchronous>, transform_indices = @transform_11, window_bounds = array<i64: 6, 64>}, {pipeline_mode = #tpu.pipeline_mode<synchronous>, transform_indices = @transform_12, window_bounds = array<i64: 2, 64>}, {pipeline_mode = #tpu.pipeline_mode<synchronous>, transform_indices = @transform_13, window_bounds = array<i64: 18, 64>}, {transform_indices = @transform_14, window_bounds = array<i64: 576, 1024>}]} {
    %get3A = arith.constant 0 : index
    %get3A_0 = arith.constant 0 : index
    %get3A_1 = arith.constant 0 : index
    %get3A_2 = vector.load %arg7[%get3A, %get3A_0, %get3A_1] : memref<6x1x1024xi32, #tpu.memory_space<vmem>>, vector<1x1x1024xi32>
    %get3A_3 = vector.shape_cast %get3A_2 : vector<1x1x1024xi32> to vector<1x1024xi32>
    %iota3A = tpu.iota {dimensions = array<i32: 0>} : vector<6x1024xi32>
    %eq3A = vector.broadcast %get3A_3 : vector<1x1024xi32> to vector<6x1024xi32>
    %eq3A_4 = arith.cmpi eq, %iota3A, %eq3A : vector<6x1024xi32>
    %convert_element_type3A = arith.extui %eq3A_4 : vector<6x1024xi1> to vector<6x1024xi32>
    %convert_element_type3A_5 = arith.sitofp %convert_element_type3A : vector<6x1024xi32> to vector<6x1024xf32>
    %get3A_6 = arith.constant 0 : index
    %get3A_7 = arith.constant 0 : index
    %get3A_8 = vector.load %arg12[%get3A_6, %get3A_7] : memref<6x64xf32, #tpu.memory_space<vmem>>, vector<6x64xf32>
    %dot_general3A = arith.constant dense<0.000000e+00> : vector<64x1024xf32>
    %dot_general3A_9 = tpu.matmul %get3A_8, %convert_element_type3A_5, %dot_general3A {dimension_numbers = #tpu.dot_dimension_numbers<[0], [0], [1], [1], [0, 1, 1, 1], [], []>, transpose_lhs_hint = false} : vector<6x64xf32>, vector<6x1024xf32>, vector<64x1024xf32> -> vector<64x1024xf32>
    %get3A_10 = arith.constant 1 : index
    %get3A_11 = arith.constant 0 : index
    %get3A_12 = arith.constant 0 : index
    %get3A_13 = vector.load %arg7[%get3A_10, %get3A_11, %get3A_12] : memref<6x1x1024xi32, #tpu.memory_space<vmem>>, vector<1x1x1024xi32>
    %get3A_14 = vector.shape_cast %get3A_13 : vector<1x1x1024xi32> to vector<1x1024xi32>
    %iota3A_15 = tpu.iota {dimensions = array<i32: 0>} : vector<2x1024xi32>
    %eq3A_16 = vector.broadcast %get3A_14 : vector<1x1024xi32> to vector<2x1024xi32>
    %eq3A_17 = arith.cmpi eq, %iota3A_15, %eq3A_16 : vector<2x1024xi32>
    %convert_element_type3A_18 = arith.extui %eq3A_17 : vector<2x1024xi1> to vector<2x1024xi32>
    %convert_element_type3A_19 = arith.sitofp %convert_element_type3A_18 : vector<2x1024xi32> to vector<2x1024xf32>
    %get3A_20 = arith.constant 0 : index
    %get3A_21 = arith.constant 0 : index
    %get3A_22 = vector.load %arg13[%get3A_20, %get3A_21] : memref<2x64xf32, #tpu.memory_space<vmem>>, vector<2x64xf32>
    %dot_general3A_23 = arith.constant dense<0.000000e+00> : vector<64x1024xf32>
    %dot_general3A_24 = tpu.matmul %get3A_22, %convert_element_type3A_19, %dot_general3A_23 {dimension_numbers = #tpu.dot_dimension_numbers<[0], [0], [1], [1], [0, 1, 1, 1], [], []>, transpose_lhs_hint = false} : vector<2x64xf32>, vector<2x1024xf32>, vector<64x1024xf32> -> vector<64x1024xf32>
    %get3A_25 = arith.constant 2 : index
    %get3A_26 = arith.constant 0 : index
    %get3A_27 = arith.constant 0 : index
    %get3A_28 = vector.load %arg7[%get3A_25, %get3A_26, %get3A_27] : memref<6x1x1024xi32, #tpu.memory_space<vmem>>, vector<1x1x1024xi32>
    %get3A_29 = vector.shape_cast %get3A_28 : vector<1x1x1024xi32> to vector<1x1024xi32>
    %iota3A_30 = tpu.iota {dimensions = array<i32: 0>} : vector<18x1024xi32>
    %eq3A_31 = vector.broadcast %get3A_29 : vector<1x1024xi32> to vector<18x1024xi32>
    %eq3A_32 = arith.cmpi eq, %iota3A_30, %eq3A_31 : vector<18x1024xi32>
    %convert_element_type3A_33 = arith.extui %eq3A_32 : vector<18x1024xi1> to vector<18x1024xi32>
    %convert_element_type3A_34 = arith.sitofp %convert_element_type3A_33 : vector<18x1024xi32> to vector<18x1024xf32>
    %get3A_35 = arith.constant 0 : index
    %get3A_36 = arith.constant 0 : index
    %get3A_37 = vector.load %arg14[%get3A_35, %get3A_36] : memref<18x64xf32, #tpu.memory_space<vmem>>, vector<18x64xf32>
    %dot_general3A_38 = arith.constant dense<0.000000e+00> : vector<64x1024xf32>
    %dot_general3A_39 = tpu.matmul %get3A_37, %convert_element_type3A_34, %dot_general3A_38 {dimension_numbers = #tpu.dot_dimension_numbers<[0], [0], [1], [1], [0, 1, 1, 1], [], []>, transpose_lhs_hint = false} : vector<18x64xf32>, vector<18x1024xf32>, vector<64x1024xf32> -> vector<64x1024xf32>
    %get3A_40 = arith.constant 3 : index
    %get3A_41 = arith.constant 0 : index
    %get3A_42 = arith.constant 0 : index
    %get3A_43 = vector.load %arg7[%get3A_40, %get3A_41, %get3A_42] : memref<6x1x1024xi32, #tpu.memory_space<vmem>>, vector<1x1x1024xi32>
    %get3A_44 = vector.shape_cast %get3A_43 : vector<1x1x1024xi32> to vector<1x1024xi32>
    %get3A_45 = arith.constant 0 : index
    %get3A_46 = arith.constant 0 : index
    %get3A_47 = vector.load %arg1[%get3A_45, %get3A_46] : memref<1024x128xf32, #tpu.memory_space<vmem>>, vector<1024x128xf32>
    %transpose3A = tpu.transpose %get3A_47, [1, 0] : vector<1024x128xf32> -> vector<128x1024xf32>
    %eq3A_48 = arith.constant 1 : i32
    %eq3A_49 = vector.broadcast %eq3A_48 : i32 to vector<1x1024xi32>
    %eq3A_50 = arith.cmpi eq, %get3A_44, %eq3A_49 : vector<1x1024xi32>
    %slice3A = vector.extract_strided_slice %transpose3A {offsets = [64, 0], sizes = [64, 1024], strides = [1, 1]} : vector<128x1024xf32> to vector<64x1024xf32>
    %slice3A_51 = vector.extract_strided_slice %transpose3A {offsets = [0, 0], sizes = [64, 1024], strides = [1, 1]} : vector<128x1024xf32> to vector<64x1024xf32>
    %broadcast_in_dim3A = vector.shape_cast %eq3A_50 : vector<1x1024xi1> to vector<1x1024xi1>
    %broadcast_in_dim3A_52 = vector.broadcast %broadcast_in_dim3A : vector<1x1024xi1> to vector<64x1024xi1>
    %select_n3A = arith.select %broadcast_in_dim3A_52, %slice3A, %slice3A_51 : vector<64x1024xi1>, vector<64x1024xf32>
    %get3A_53 = arith.constant 4 : index
    %get3A_54 = arith.constant 0 : index
    %get3A_55 = arith.constant 0 : index
    %get3A_56 = vector.load %arg7[%get3A_53, %get3A_54, %get3A_55] : memref<6x1x1024xi32, #tpu.memory_space<vmem>>, vector<1x1x1024xi32>
    %get3A_57 = vector.shape_cast %get3A_56 : vector<1x1x1024xi32> to vector<1x1024xi32>
    %get3A_58 = arith.constant 0 : index
    %get3A_59 = arith.constant 0 : index
    %get3A_60 = vector.load %arg2[%get3A_58, %get3A_59] : memref<1024x128xf32, #tpu.memory_space<vmem>>, vector<1024x128xf32>
    %transpose3A_61 = tpu.transpose %get3A_60, [1, 0] : vector<1024x128xf32> -> vector<128x1024xf32>
    %eq3A_62 = arith.constant 1 : i32
    %eq3A_63 = vector.broadcast %eq3A_62 : i32 to vector<1x1024xi32>
    %eq3A_64 = arith.cmpi eq, %get3A_57, %eq3A_63 : vector<1x1024xi32>
    %slice3A_65 = vector.extract_strided_slice %transpose3A_61 {offsets = [64, 0], sizes = [64, 1024], strides = [1, 1]} : vector<128x1024xf32> to vector<64x1024xf32>
    %slice3A_66 = vector.extract_strided_slice %transpose3A_61 {offsets = [0, 0], sizes = [64, 1024], strides = [1, 1]} : vector<128x1024xf32> to vector<64x1024xf32>
    %broadcast_in_dim3A_67 = vector.shape_cast %eq3A_64 : vector<1x1024xi1> to vector<1x1024xi1>
    %broadcast_in_dim3A_68 = vector.broadcast %broadcast_in_dim3A_67 : vector<1x1024xi1> to vector<64x1024xi1>
    %select_n3A_69 = arith.select %broadcast_in_dim3A_68, %slice3A_65, %slice3A_66 : vector<64x1024xi1>, vector<64x1024xf32>
    %get3A_70 = arith.constant 5 : index
    %get3A_71 = arith.constant 0 : index
    %get3A_72 = arith.constant 0 : index
    %get3A_73 = vector.load %arg7[%get3A_70, %get3A_71, %get3A_72] : memref<6x1x1024xi32, #tpu.memory_space<vmem>>, vector<1x1x1024xi32>
    %get3A_74 = vector.shape_cast %get3A_73 : vector<1x1x1024xi32> to vector<1x1024xi32>
    %get3A_75 = arith.constant 0 : index
    %get3A_76 = arith.constant 0 : index
    %get3A_77 = vector.load %arg3[%get3A_75, %get3A_76] : memref<1024x128xf32, #tpu.memory_space<vmem>>, vector<1024x128xf32>
    %transpose3A_78 = tpu.transpose %get3A_77, [1, 0] : vector<1024x128xf32> -> vector<128x1024xf32>
    %eq3A_79 = arith.constant 1 : i32
    %eq3A_80 = vector.broadcast %eq3A_79 : i32 to vector<1x1024xi32>
    %eq3A_81 = arith.cmpi eq, %get3A_74, %eq3A_80 : vector<1x1024xi32>
    %slice3A_82 = vector.extract_strided_slice %transpose3A_78 {offsets = [64, 0], sizes = [64, 1024], strides = [1, 1]} : vector<128x1024xf32> to vector<64x1024xf32>
    %slice3A_83 = vector.extract_strided_slice %transpose3A_78 {offsets = [0, 0], sizes = [64, 1024], strides = [1, 1]} : vector<128x1024xf32> to vector<64x1024xf32>
    %broadcast_in_dim3A_84 = vector.shape_cast %eq3A_81 : vector<1x1024xi1> to vector<1x1024xi1>
    %broadcast_in_dim3A_85 = vector.broadcast %broadcast_in_dim3A_84 : vector<1x1024xi1> to vector<64x1024xi1>
    %select_n3A_86 = arith.select %broadcast_in_dim3A_85, %slice3A_82, %slice3A_83 : vector<64x1024xi1>, vector<64x1024xf32>
    %get3A_87 = arith.constant 0 : index
    %get3A_88 = arith.constant 0 : index
    %get3A_89 = vector.load %arg8[%get3A_87, %get3A_88] : memref<64x200xf32, #tpu.memory_space<vmem>>, vector<64x200xf32>
    %get3A_90 = arith.constant 0 : index
    %get3A_91 = arith.constant 0 : index
    %get3A_92 = vector.load %arg4[%get3A_90, %get3A_91] : memref<200x1024xf32, #tpu.memory_space<vmem>>, vector<200x1024xf32>
    %dot_general3A_93 = arith.constant dense<0.000000e+00> : vector<64x1024xf32>
    %dot_general3A_94 = tpu.matmul %get3A_89, %get3A_92, %dot_general3A_93 {dimension_numbers = #tpu.dot_dimension_numbers<[1], [0], [0], [1], [0, 0, 1, 1], [], []>, transpose_lhs_hint = false} : vector<64x200xf32>, vector<200x1024xf32>, vector<64x1024xf32> -> vector<64x1024xf32>
    %get3A_95 = arith.constant 0 : index
    %get3A_96 = arith.constant 0 : index
    %get3A_97 = vector.load %arg11[%get3A_95, %get3A_96] : memref<64x3xf32, #tpu.memory_space<vmem>>, vector<64x1xf32>
    %add3A = vector.broadcast %get3A_97 : vector<64x1xf32> to vector<64x1024xf32>
    %add3A_98 = arith.addf %dot_general3A_94, %add3A : vector<64x1024xf32>
    %get3A_99 = arith.constant 0 : index
    %get3A_100 = arith.constant 0 : index
    %get3A_101 = vector.load %arg9[%get3A_99, %get3A_100] : memref<64x64xf32, #tpu.memory_space<vmem>>, vector<64x64xf32>
    %get3A_102 = arith.constant 0 : index
    %get3A_103 = arith.constant 0 : index
    %get3A_104 = vector.load %arg5[%get3A_102, %get3A_103] : memref<64x1024xf32, #tpu.memory_space<vmem>>, vector<64x1024xf32>
    %dot_general3A_105 = arith.constant dense<0.000000e+00> : vector<64x1024xf32>
    %dot_general3A_106 = tpu.matmul %get3A_101, %get3A_104, %dot_general3A_105 {dimension_numbers = #tpu.dot_dimension_numbers<[1], [0], [0], [1], [0, 0, 1, 1], [], []>, transpose_lhs_hint = false} : vector<64x64xf32>, vector<64x1024xf32>, vector<64x1024xf32> -> vector<64x1024xf32>
    %get3A_107 = arith.constant 0 : index
    %get3A_108 = arith.constant 1 : index
    %get3A_109 = vector.load %arg11[%get3A_107, %get3A_108] : memref<64x3xf32, #tpu.memory_space<vmem>>, vector<64x1xf32>
    %add3A_110 = vector.broadcast %get3A_109 : vector<64x1xf32> to vector<64x1024xf32>
    %add3A_111 = arith.addf %dot_general3A_106, %add3A_110 : vector<64x1024xf32>
    %get3A_112 = arith.constant 0 : index
    %get3A_113 = arith.constant 0 : index
    %get3A_114 = vector.load %arg10[%get3A_112, %get3A_113] : memref<64x128xf32, #tpu.memory_space<vmem>>, vector<64x128xf32>
    %get3A_115 = arith.constant 0 : index
    %get3A_116 = arith.constant 0 : index
    %get3A_117 = vector.load %arg6[%get3A_115, %get3A_116] : memref<1024x128xf32, #tpu.memory_space<vmem>>, vector<1024x128xf32>
    %dot_general3A_118 = arith.constant dense<0.000000e+00> : vector<64x1024xf32>
    %dot_general3A_119 = tpu.matmul %get3A_114, %get3A_117, %dot_general3A_118 {dimension_numbers = #tpu.dot_dimension_numbers<[1], [1], [0], [0], [0, 0, 1, 0], [], []>, transpose_lhs_hint = false} : vector<64x128xf32>, vector<1024x128xf32>, vector<64x1024xf32> -> vector<64x1024xf32>
    %get3A_120 = arith.constant 0 : index
    %get3A_121 = arith.constant 2 : index
    %get3A_122 = vector.load %arg11[%get3A_120, %get3A_121] : memref<64x3xf32, #tpu.memory_space<vmem>>, vector<64x1xf32>
    %add3A_123 = vector.broadcast %get3A_122 : vector<64x1xf32> to vector<64x1024xf32>
    %add3A_124 = arith.addf %dot_general3A_119, %add3A_123 : vector<64x1024xf32>
    %concatenate3A = tpu.concatenate %select_n3A, %dot_general3A_9, %dot_general3A_24, %add3A_98, %add3A_111, %add3A_124, %select_n3A_69, %dot_general3A_39, %select_n3A_86 in 0 : vector<64x1024xf32>, vector<64x1024xf32>, vector<64x1024xf32>, vector<64x1024xf32>, vector<64x1024xf32>, vector<64x1024xf32>, vector<64x1024xf32>, vector<64x1024xf32>, vector<64x1024xf32> -> vector<576x1024xf32>
    %swap3A = arith.constant 0 : index
    %swap3A_125 = arith.constant 0 : index
    %swap3A_126 = vector.load %arg15[%swap3A, %swap3A_125] : memref<576x1024xf32, #tpu.memory_space<vmem>>, vector<576x1024xf32>
    tpu.vector_store %arg15[%swap3A, %swap3A_125], %concatenate3A {strides = array<i32>} : memref<576x1024xf32, #tpu.memory_space<vmem>>, vector<576x1024xf32>,
    return
  }
  func.func @transform_0(%arg0: i32) -> (i32, i32) {
    %c0_i32 = arith.constant 0 : i32
    %c0_i32_0 = arith.constant 0 : i32
    return %arg0, %c0_i32 : i32, i32
  }
  func.func @transform_1(%arg0: i32) -> (i32, i32) {
    %c0_i32 = arith.constant 0 : i32
    %c0_i32_0 = arith.constant 0 : i32
    return %arg0, %c0_i32 : i32, i32
  }
  func.func @transform_2(%arg0: i32) -> (i32, i32) {
    %c0_i32 = arith.constant 0 : i32
    %c0_i32_0 = arith.constant 0 : i32
    return %arg0, %c0_i32 : i32, i32
  }
  func.func @transform_3(%arg0: i32) -> (i32, i32) {
    %c0_i32 = arith.constant 0 : i32
    %c0_i32_0 = arith.constant 0 : i32
    return %c0_i32, %arg0 : i32, i32
  }
  func.func @transform_4(%arg0: i32) -> (i32, i32) {
    %c0_i32 = arith.constant 0 : i32
    %c0_i32_0 = arith.constant 0 : i32
    return %c0_i32, %arg0 : i32, i32
  }
  func.func @transform_5(%arg0: i32) -> (i32, i32) {
    %c0_i32 = arith.constant 0 : i32
    %c0_i32_0 = arith.constant 0 : i32
    return %arg0, %c0_i32 : i32, i32
  }
  func.func @transform_6(%arg0: i32) -> (i32, i32, i32) {
    %c0_i32 = arith.constant 0 : i32
    %c0_i32_0 = arith.constant 0 : i32
    %c0_i32_1 = arith.constant 0 : i32
    return %c0_i32, %c0_i32_0, %arg0 : i32, i32, i32
  }
  func.func @transform_7(%arg0: i32) -> (i32, i32) {
    %c0_i32 = arith.constant 0 : i32
    %c0_i32_0 = arith.constant 0 : i32
    %c0_i32_1 = arith.constant 0 : i32
    return %c0_i32, %c0_i32_0 : i32, i32
  }
  func.func @transform_8(%arg0: i32) -> (i32, i32) {
    %c0_i32 = arith.constant 0 : i32
    %c0_i32_0 = arith.constant 0 : i32
    %c0_i32_1 = arith.constant 0 : i32
    return %c0_i32, %c0_i32_0 : i32, i32
  }
  func.func @transform_9(%arg0: i32) -> (i32, i32) {
    %c0_i32 = arith.constant 0 : i32
    %c0_i32_0 = arith.constant 0 : i32
    %c0_i32_1 = arith.constant 0 : i32
    return %c0_i32, %c0_i32_0 : i32, i32
  }
  func.func @transform_10(%arg0: i32) -> (i32, i32) {
    %c0_i32 = arith.constant 0 : i32
    %c0_i32_0 = arith.constant 0 : i32
    %c0_i32_1 = arith.constant 0 : i32
    return %c0_i32, %c0_i32_0 : i32, i32
  }
  func.func @transform_11(%arg0: i32) -> (i32, i32) {
    %c0_i32 = arith.constant 0 : i32
    %c0_i32_0 = arith.constant 0 : i32
    %c0_i32_1 = arith.constant 0 : i32
    return %c0_i32, %c0_i32_0 : i32, i32
  }
  func.func @transform_12(%arg0: i32) -> (i32, i32) {
    %c0_i32 = arith.constant 0 : i32
    %c0_i32_0 = arith.constant 0 : i32
    %c0_i32_1 = arith.constant 0 : i32
    return %c0_i32, %c0_i32_0 : i32, i32
  }
  func.func @transform_13(%arg0: i32) -> (i32, i32) {
    %c0_i32 = arith.constant 0 : i32
    %c0_i32_0 = arith.constant 0 : i32
    %c0_i32_1 = arith.constant 0 : i32
    return %c0_i32, %c0_i32_0 : i32, i32
  }
  func.func @transform_14(%arg0: i32) -> (i32, i32) {
    %c0_i32 = arith.constant 0 : i32
    %c0_i32_0 = arith.constant 0 : i32
    return %c0_i32, %arg0 : i32, i32
  }
}

</mosaic_0001>

<sc_bundles>
// kernel: kernel.11.cloned.1.call-start
scs
__scs_entry_jumppad:
0x0: {  	(pc) =	sbr.rel $0x88, $3  }
0x1: {  	(tag) =	ssettag $0x0;
	lr =	simm.s32 $0x1  }
0x2: {  	[smem:$0x3F8C] =	sst lr;
	_ =	strace $0xD0000000  }
0x3: {  	_ = 	snop  }
0x4: {  	_ = 	snop  }
0x5: {  	_ = 	snop  }
0x6: {  	_ = 	snop  }
0x7: {  	_ = 	snop  }
__scs_overlays_trampoline_lowered:
0x8: {  	[smem:$0x3F9B] =	sst s0  }
0x9: {  	[smem:$0x3F9C] =	sst s1  }
0xa: {  	[smem:$0x3F9D] =	sst s2  }
0xb: {  	[smem:$0x3F9E] =	sst s3  }
0xc: {  	[smem:$0x3F9F] =	sst s4  }
0xd: {  	[smem:$0x3FA0] =	sst s5  }
0xe: {  	[smem:$0x3FA1] =	sst s6  }
0xf: {  	[smem:$0x3FA2] =	sst s7  }
0x10: {  	[smem:$0x3FA3] =	sst s8  }
0x11: {  	[smem:$0x3FA4] =	sst s9;
	s0 =	simm.s32 @!p0 $0x0  }
0x12: {  	s1 =	sld [smem:$0x3F8A];
	s0 =	simm.s32 @p0 $0x1  }
0x13: {  	[smem:$0x3FA5] =	sst s0;
	s0 =	simm.s32 @!p1 $0x0  }
0x14: {  	s2 =	sld [smem:$0x3F89];
	s0 =	simm.s32 @p1 $0x1  }
0x15: {  	[smem:$0x3FA6] =	sst s0;
	s0 =	simm.s32 @!p2 $0x0  }
0x16: {  	s3 =	sld [smem:$0x3FDB];
	s0 =	simm.s32 @p2 $0x1  }
0x17: {  	s4 =	simm.s32 $0x1BF5;
	[smem:$0x3FA8] =	sst s0  }
0x18: {  	s0 =	sld [smem:$0x3F8B];
	_ =	swait.ge [sflag:s4], $0x0  }
0x19: {  	s7 =	sld [smem:$0x3F8C]  }
0x1a: {  	s8 =	sadd.s32 $0xFFFFE003, lr  }
0x1b: {  	s9 =	sadd.s32 $0xFFFFFEF7, lr;
	s5 =	simm.s32 $0xFFFFFFFF;
	p2 =	slt.u32 s8, $0xFFFFF086  }
0x1c: {  	p1 =	slt.u32 s9, $0xF7A;
	s5 =	simm.s32 @!p2 $0x0  }
0x1d: {  	s5 =	simm.s32 @p1 $0x1;
	p0 =	seq.s32 s7, s2  }
0x1e: {  	s7 =	smul.u32 @!p0 $0xF7A, s2;
	p2 =	seq.s32 @!p0 s5, $0x0  }
0x1f: {  	s9 =	smul.u32 $0xF7A, s1;
	s8 =	simm.s32 @!p0 $0x1BF5;
	p2 =	por !p2, p0  }
0x20: {  	[sflag:s8] =	ssyncset.s32 @!p0 $0xFFFFF086;
	s6 =	sadd.s32 @!p0 s3, s7;
	s7 =	simm.s32 @!p0 $0x108  }
0x21: {  	s3 =	sadd.s32 s3, s9;
	s6 =	sadd.s32 @!p0 $0x88, s6;
	s7 =	simm.s32 @p2 $0x1082  }
0x22: {  	[simem:s7], [sflag:s8] =	dma.local @!p0 [hbm:s6], $0xF7A  }
0x23: {  	s9 =	sor.u32 $0xD0000000, s2;
	s6 =	simm.s32 $0x108;
	_ =	swait.ge @!p0 [sflag:s8], $0x0  }
0x24: {  	s3 =	sadd.s32 $0x88, s3;
	s6 =	simm.s32 @!p1 $0x1082;
	[sflag:s4] =	ssyncset.s32 $0xFFFFF086  }
0x25: {  	[simem:s6], [sflag:s4] =	dma.local [hbm:s3], $0xF7A  }
0x26: {  	[smem:$0x3F8C] =	sst s1;
	(tag) =	ssettag s2;
	_ =	strace s9  }
0x27: {  	s1 =	sld [smem:$0x3F9C]  }
0x28: {  	s2 =	sld [smem:$0x3F9D]  }
0x29: {  	s4 =	sld [smem:$0x3F9F]  }
0x2a: {  	p0 =	seq.s32 s5, $0x0;
	s5 =	sld [smem:$0x3FA0]  }
0x2b: {  	s6 =	sld [smem:$0x3FA1]  }
0x2c: {  	s7 =	sld [smem:$0x3FA2]  }
0x2d: {  	s3 =	simm.s32 $0x108;
	s8 =	sld [smem:$0x3FA3]  }
0x2e: {  	s3 =	simm.s32 @!p0 $0x1082;
	s9 =	sld [smem:$0x3FA4]  }
0x2f: {  	lr =	sadd.s32 s0, s3;
	s0 =	sld [smem:$0x3F9B]  }
0x30: {  	s3 =	sld [smem:$0x3F9E]  }
0x31: {  	[smem:$0x3FA7] =	sst s10  }
0x32: {  	s10 =	sld [smem:$0x3FA5];
	_ =	sdelay $0x3  }
0x33: {  	p0 =	seq.s32 s10, $0x1;
	s10 =	sld [smem:$0x3FA7];
	_ =	sdelay $0x3  }
0x34: {  	[smem:$0x3FA7] =	sst s10  }
0x35: {  	s10 =	sld [smem:$0x3FA6];
	_ =	sdelay $0x3  }
0x36: {  	p1 =	seq.s32 s10, $0x1;
	s10 =	sld [smem:$0x3FA7];
	_ =	sdelay $0x3  }
0x37: {  	[smem:$0x3FA7] =	sst s10  }
0x38: {  	s10 =	sld [smem:$0x3FA8]  }
0x39: {  	_ = 	snop;
	(pc) =	sbr.ind lr, $3  }
0x3a: {  	_ = 	snop  }
0x3b: {  	_ = 	snop  }
0x3c: {  	p2 =	seq.s32 s10, $0x1;
	s10 =	sld [smem:$0x3FA7]  }
0x3d: {  	_ =	shalt  }
0x3e: {  	_ =	shalt  }
0x3f: {  	_ =	shalt  }
0x40: {  	_ =	shalt  }
0x41: {  	_ =	shalt  }
0x42: {  	_ =	shalt  }
0x43: {  	_ =	shalt  }
0x44: {  	_ =	shalt  }
0x45: {  	_ =	shalt  }
0x46: {  	_ =	shalt  }
0x47: {  	_ =	shalt  }
0x48: {  	_ =	shalt  }
0x49: {  	_ =	shalt  }
0x4a: {  	_ =	shalt  }
0x4b: {  	_ =	shalt  }
0x4c: {  	_ =	shalt  }
0x4d: {  	_ =	shalt  }
0x4e: {  	_ =	shalt  }
0x4f: {  	_ =	shalt  }
0x50: {  	_ =	shalt  }
0x51: {  	_ =	shalt  }
0x52: {  	_ =	shalt  }
0x53: {  	_ =	shalt  }
0x54: {  	_ =	shalt  }
0x55: {  	_ =	shalt  }
0x56: {  	_ =	shalt  }
0x57: {  	_ =	shalt  }
0x58: {  	_ =	shalt  }
0x59: {  	_ =	shalt  }
0x5a: {  	_ =	shalt  }
0x5b: {  	_ =	shalt  }
0x5c: {  	_ =	shalt  }
0x5d: {  	_ =	shalt  }
0x5e: {  	_ =	shalt  }
0x5f: {  	_ =	shalt  }
0x60: {  	_ =	shalt  }
0x61: {  	_ =	shalt  }
0x62: {  	_ =	shalt  }
0x63: {  	_ =	shalt  }
0x64: {  	_ =	shalt  }
0x65: {  	_ =	shalt  }
0x66: {  	_ =	shalt  }
0x67: {  	_ =	shalt  }
0x68: {  	_ =	shalt  }
0x69: {  	_ =	shalt  }
0x6a: {  	_ =	shalt  }
0x6b: {  	_ =	shalt  }
0x6c: {  	_ =	shalt  }
0x6d: {  	_ =	shalt  }
0x6e: {  	_ =	shalt  }
0x6f: {  	_ =	shalt  }
0x70: {  	_ =	shalt  }
0x71: {  	_ =	shalt  }
0x72: {  	_ =	shalt  }
0x73: {  	_ =	shalt  }
0x74: {  	_ =	shalt  }
0x75: {  	_ =	shalt  }
0x76: {  	_ =	shalt  }
0x77: {  	_ =	shalt  }
0x78: {  	_ =	shalt  }
0x79: {  	_ =	shalt  }
0x7a: {  	_ =	shalt  }
0x7b: {  	_ =	shalt  }
0x7c: {  	_ =	shalt  }
0x7d: {  	_ =	shalt  }
0x7e: {  	_ =	shalt  }
0x7f: {  	_ =	shalt  }
0x80: {  	_ =	shalt  }
0x81: {  	_ =	shalt  }
0x82: {  	_ =	shalt  }
0x83: {  	_ =	shalt  }
0x84: {  	_ =	shalt  }
0x85: {  	_ =	shalt  }
0x86: {  	_ =	shalt  }
0x87: {  	_ =	shalt  }
.Lfunc_end0:
.L_simem_size_0:
called_computation.1_lowered:
.L_overlay_start_0:
0x88: {  	s2 =	sld [smem:$0x3FD9]  }
0x89: {  	s3 =	sld [smem:$0x3FFE];
	_ =	sdelay $0x1  }
0x8a: {  	s1 =	srdreg.scid  }
0x8b: {  	s0 =	sand.u32 $0x1, s1  }
0x8c: {  	s16 =	sshll.u32 s0, $0xA;
	s2 =	sadd.s32 s3, s2  }
0x8d: {  	s2 =	sadd.s32 s2, s16  }
0x8e: {  	[smem:$0x3FB3] =	sst s2  }
0x8f: {  	_ = 	snop  }
0x90: {  	(tm) =	ssettm $0x1  }
0x91: {  	s17 =	sld [smem:$0x3FFB];
	_ =	sdelay $0x3  }
0x92: {  	_ =	strace s17  }
0x93: {  	s2 =	sld [smem:$0x3FFC];
	_ =	sdelay $0x3  }
0x94: {  	_ =	strace s2  }
0x95: {  	s2 =	sld [smem:$0x3FFD];
	_ =	sdelay $0x3  }
0x96: {  	_ =	strace s2  }
0x97: {  	_ =	strace $0x8FFFFFFF  }
0x98: {  	s18 =	sld [smem:$0x3FDB];
	_ =	sdelay $0x1  }
0x99: {  	s19 =	simm.s32 $_scs_section_size  }
0x9a: {  	s4 =	simm.s32 $_size__tile_overlayer_lowered;
	s5 =	simm.s32 $_tile_overlayer_lowered  }
0x9b: {  	s22 =	simm.s32 $0x1BFF;
	s21 =	sshll.u32 s5, $0x1;
	s2 =	sadd.s32 s19, s18  }
0x9c: {  	s6 =	simm.s32 $0x0;
	s20 =	sshll.u32 s4, $0x1;
	s4 =	sadd.s32 s21, s2  }
0x9d: {  	[timem:s6], [sflag:s22] =	dma.local [hbm:s4], s20  }
0x9e: {  	_ =	swait.ge [sflag:s22], s20  }
0x9f: {  	s3 =	ssub.s32 $0x0, s20;
	[sflag:s22] =	ssyncset.done $0x0  }
0xa0: {  	[sflag:s22] =	ssyncadd.s32 s3;
	_ =	sdelay $0x1  }
0xa1: {  	s23 =	simm.s32 $0x1B8B  }
0xa2: {  	_ =	swait.ge [sflag:s23], $0x1  }
0xa3: {  	[sflag:s23] =	ssyncset.done $0x0  }
0xa4: {  	s25 =	simm.s32 $0x1B8E;
	s24 =	sld [smem:$0x3FFE];
	[sflag:s23] =	ssyncadd.s32 $0xFFFFFFFF  }
0xa5: {  	s26 =	simm.s32 $execute0_lowered;
	[smem:$0x3FD2] =	sst s25  }
0xa6: {  	s4 =	sshll.u32 s26, $0x1;
	_ =	strace $0x80000046;
	[dreg:$0x1] =	wrdreg $0xFFFFFFFF  }
0xa7: {  	s28 =	simm.s32 $_size_execute0_lowered;
	s2 =	sadd.s32 s2, s4;
	[dreg:$0x0] =	wrdreg $0x0  }
0xa8: {  	s4 =	sshll.u32 s28, $0x1;
	[dreg:$0x2] =	wrdreg s2  }
0xa9: {  	[dreg:$0x3] =	wrdreg s4  }
0xaa: {  	[dreg:$0x4] =	wrdreg $0xC0  }
0xab: {  	_ =	task [dreg:s6], $0x5FFFF  }
0xac: {  	[dreg:$0x1] =	wrdreg $0xFFFFFFFF  }
0xad: {  	[dreg:$0x0] =	wrdreg $0x60  }
0xae: {  	[dreg:$0x2] =	wrdreg s24  }
0xaf: {  	[dreg:$0x3] =	wrdreg $0xA  }
0xb0: {  	_ =	task.clear_ibuf [dreg:s6], $0x4FFFF;
	_ =	strace $0x90000046  }
0xb1: {  	s29 =	simm.s32 $0xA;
	_ =	strace $0x80000048  }
0xb2: {  	_ =	swait.ge [sflag:s29], $0x1  }
0xb3: {  	[sflag:s29] =	ssyncadd.s32 $0xFFFFFFFF  }
0xb4: {  	_ =	strace $0x90000048  }
0xb5: {  	_ =	sfence  }
0xb6: {  	s30 =	sld [smem:$0x0];
	_ =	sdelay $0x2  }
0xb7: {  	s31 =	sshll.u32 s1, $0xD;
	s1 =	sshrl.u32 s1, $0x2  }
0xb8: {  	s3 =	sand.u32 $0x4000, s31;
	s1 =	sadd.s32 s1, s30  }
0xb9: {  	s0 =	sor.u32 s3, s0;
	s1 =	sshll.u32 s1, $0x11  }
0xba: {  	s0 =	sor.u32 s1, s0  }
0xbb: {  	s0 =	sadd.s32 $0x8F2B, s0  }
0xbc: {  	[sflag:s0] =	ssyncadd.remote.s32 $0x1  }
0xbd: {  	_ =	sfence.sel $0xFFFF  }
0xbe: {  	[dreg:$0x0] =	wrdreg $0xFFFFFFFF;
	(pc) =	sbr.abs _section_cstart, $3  }
0xbf: {  	[dreg:$0x1] =	wrdreg $0xFFFFFFFF  }
0xc0: {  	_ =	task.clear_ibuf [dreg:s6], $0x2FFFF;
	_ =	strace $0x9FFFFFFF  }
0xc1: {  	(tm) =	ssettm $0x7FFFFFFF  }
tec
execute0_lowered:
.L_overlay_start_1:
0x0: {  	(tag) =	ssettag $0x1  }
0x1: {  	s1 =	srdreg.scid  }
0x2: {  	s0 =	stileid.u32;
	s11 =	sand.u32 $0x1, s1  }
0x3: {  	s31 =	sshll.u32 s0, $0xA;
	s2 =	sshll.u32 s11, $0x9  }
0x4: {  	s10 =	sor.u32 s2, s31  }
0x5: {  	s9 =	rddreg [dreg:$0x0];
	s2 =	simm.s32 $0x0;
	s3 =	sshrl.u32 s10, $0x3  }
0x6: {  	s4 =	simm.s32 $0x4;
	[smem:$0x7FF] =	sst s2;
	s3 =	sadd.s32 s3, s9  }
0x7: {  	s1 =	rddreg [dreg:$0x1];
	_ =	strace $0x80000047;
	s3 =	sadd.s32 $0x184600, s3  }
0x8: {  	[tilespmem:s2], [sflag:$0x4] =	stream.linear.gather [hbm4b:s3+s2], $0x200, $0x38;
	[tilespmem:$0x10200] =	vst v63  }
0x9: {  	_ =	swait.ge [sflag:s4], $0x200  }
0xa: {  	s6 =	simm.s32 $0x100;
	s7 =	simm.s32 $0x200;
	[sflag:s4] =	ssyncset.done $0x0  }
0xb: {  	s8 =	simm.s32 $0x1;
	s5 =	sadd.s32 $0x4600, s9;
	[sflag:s4] =	ssyncadd.s32 $0xFFFFFE00  }
0xc: {  	[tilespmem:s7], [sflag:$0x1] =	stream.indirect.gather [hbm4b:s5+s6], $0x80, s2, s6, $0xb8;
	[tilespmem:$0x10200] =	vst v63  }
0xd: {  	s10 =	sshll.u32 s10, $0x4;
	_ =	swait.ge [sflag:s8], $0x8000  }
0xe: {  	s12 =	sadd.s32 s10, s9;
	[sflag:s8] =	ssyncset.done $0x0  }
0xf: {  	s13 =	ssub.s32 $0x2, s11;
	s9 =	sadd.s32 $0x184E00, s12;
	[sflag:s8] =	ssyncadd.s32 $0xFFFF8000  }
0x10: {  	[hbm4b:s9+s2] =	stream.linear.scatter [tilespmem:s7], [sflag:$0x2], $0x8000, $0x38;
	[tilespmem:$0x10200] =	vst v63  }
0x11: {  	s14 =	sshrl.u32 s13, $0x1;
	s10 =	simm.s32 $0x8200  }
0x12: {  	[tilespmem:s10], [sflag:$0x1] =	stream.indirect.gather [hbm4b:s5+s6], $0x80, s6, s6, $0xb8;
	[tilespmem:$0x10200] =	vst v63  }
0x13: {  	s13 =	ssub.s32 s13, s14;
	_ =	swait.ge [sflag:s8], $0x8000  }
0x14: {  	s14 =	smax.u32 s13, $0x1;
	s11 =	sadd.s32 $0x185E00, s12;
	[sflag:s8] =	ssyncset.done $0x0  }
0x15: {  	s12 =	simm.s32 $0x2;
	p0 =	sne.s32 s14, $0x1;
	[sflag:s8] =	ssyncadd.s32 $0xFFFF8000  }
0x16: {  	[hbm4b:s11+s2] =	stream.linear.scatter [tilespmem:s10], [sflag:$0x3], $0x8000, $0x38;
	[tilespmem:$0x10200] =	vst v63  }
.Ltmp0:
0x17: {  	_ =	swait.ge [sflag:s12], $0x8000;
	(pc) =	sbr.rel @!p0 .LBB2_2-.Ltmp0, $4  }
0x18: {  	[sflag:s12] =	ssyncset.done $0x0  }
0x19: {  	s13 =	simm.s32 $0x3;
	[sflag:s12] =	ssyncadd.s32 $0xFFFF8000  }
0x1a: {  	_ =	swait.ge [sflag:s13], $0x8000  }
0x1b: {  	s14 =	sadd.s32 $0xFFFFFFFF, s14;
	[sflag:s13] =	ssyncset.done $0x0  }
.LBB2_1:
0x1c: {  	p0 =	sne.s32 s14, $0x1;
	s14 =	sadd.s32 $0xFFFFFFFF, s14;
	[sflag:s13] =	ssyncadd.s32 $0xFFFF8000  }
0x1d: {  	[tilespmem:s2], [sflag:$0x4] =	stream.linear.gather [hbm4b:s3+s2], $0x200, $0x38;
	[tilespmem:$0x10200] =	vst v63  }
0x1e: {  	_ =	swait.ge [sflag:s4], $0x200  }
0x1f: {  	[sflag:s4] =	ssyncset.done $0x0  }
0x20: {  	[sflag:s4] =	ssyncadd.s32 $0xFFFFFE00  }
0x21: {  	[tilespmem:s7], [sflag:$0x1] =	stream.indirect.gather [hbm4b:s5+s6], $0x80, s2, s6, $0xb8;
	[tilespmem:$0x10200] =	vst v63  }
0x22: {  	_ =	swait.ge [sflag:s8], $0x8000  }
0x23: {  	[sflag:s8] =	ssyncset.done $0x0  }
0x24: {  	[sflag:s8] =	ssyncadd.s32 $0xFFFF8000  }
0x25: {  	[hbm4b:s9+s2] =	stream.linear.scatter [tilespmem:s7], [sflag:$0x2], $0x8000, $0x38;
	[tilespmem:$0x10200] =	vst v63  }
0x26: {  	_ = 	snop  }
0x27: {  	[tilespmem:s10], [sflag:$0x1] =	stream.indirect.gather [hbm4b:s5+s6], $0x80, s6, s6, $0xb8;
	[tilespmem:$0x10200] =	vst v63  }
0x28: {  	_ =	swait.ge [sflag:s8], $0x8000  }
0x29: {  	[sflag:s8] =	ssyncset.done $0x0  }
0x2a: {  	[sflag:s8] =	ssyncadd.s32 $0xFFFF8000  }
0x2b: {  	[hbm4b:s11+s2] =	stream.linear.scatter [tilespmem:s10], [sflag:$0x3], $0x8000, $0x38;
	[tilespmem:$0x10200] =	vst v63  }
.Ltmp1:
0x2c: {  	_ =	swait.ge [sflag:s12], $0x8000;
	(pc) =	sbr.rel @p0 .LBB2_1-.Ltmp1, $4  }
0x2d: {  	[sflag:s12] =	ssyncset.done $0x0  }
0x2e: {  	[sflag:s12] =	ssyncadd.s32 $0xFFFF8000  }
0x2f: {  	_ =	swait.ge [sflag:s13], $0x8000  }
0x30: {  	[sflag:s13] =	ssyncset.done $0x0  }
.LBB2_2:
0x31: {  	[sflag:s13] =	ssyncadd.s32 $0xFFFF8000  }
0x32: {  	_ =	sfence.sel $0x180000  }
0x33: {  	[bflag:$0x0] =	sbarrier.arrive $0xFFFF  }
0x34: {  	p0 =	sne.s32 s0, $0x0;
	_ =	strace $0x90000047  }
0x35: {  	s0 =	sadd.s32 @!p0 $0x100000, s1;
	[bflag:$0x2] =	sbarrier.arrive $0xFFFF  }
0x36: {  	[sflag:s0] =	ssyncadd.tile.s32 @!p0 $0x1;
	_ =	shalt  }
.Lfunc_end2:
_tile_overlayer_lowered:
.L_overlay_start_2:
0x37: {  	(tag) =	ssettag $0x2  }
0x38: {  	s0 =	rddreg [dreg:$0x0];
	s2 =	stileid.u32  }
0x39: {  	s1 =	rddreg [dreg:$0x1];
	p0 =	sne.s32 s2, $0x0  }
0x3a: {  	s3 =	rddreg [dreg:$0x2];
	[bflag:$0x3] =	sbarrier.arrive $0xFFFF;
	s2 =	simm.s32 @!p0 $0x1C04  }
0x3b: {  	[timem:s3], [sflag:s2] =	dma.local @!p0 [hbm:s0], s1  }
0x3c: {  	s0 =	simm.s32 @!p0 $0x4  }
0x3d: {  	_ =	swait.ge @!p0 [sflag:s0], s1  }
0x3e: {  	s1 =	ssub.s32 @!p0 $0x0, s1;
	[sflag:s0] =	ssyncset.done @!p0 $0x0  }
0x3f: {  	[sflag:s0] =	ssyncadd.s32 @!p0 s1  }
0x40: {  	[bflag:$0x3] =	sbarrier.arrive $0xFFFF  }
0x41: {  	_ =	shalt  }

// kernel: kernel.8.cloned.1.call-start
scs
__scs_entry_jumppad:
0x0: {  	(pc) =	sbr.rel $0x88, $3  }
0x1: {  	(tag) =	ssettag $0x0;
	lr =	simm.s32 $0x1  }
0x2: {  	[smem:$0x3F8C] =	sst lr;
	_ =	strace $0xD0000000  }
0x3: {  	_ = 	snop  }
0x4: {  	_ = 	snop  }
0x5: {  	_ = 	snop  }
0x6: {  	_ = 	snop  }
0x7: {  	_ = 	snop  }
__scs_overlays_trampoline_lowered:
0x8: {  	[smem:$0x3F9B] =	sst s0  }
0x9: {  	[smem:$0x3F9C] =	sst s1  }
0xa: {  	[smem:$0x3F9D] =	sst s2  }
0xb: {  	[smem:$0x3F9E] =	sst s3  }
0xc: {  	[smem:$0x3F9F] =	sst s4  }
0xd: {  	[smem:$0x3FA0] =	sst s5  }
0xe: {  	[smem:$0x3FA1] =	sst s6  }
0xf: {  	[smem:$0x3FA2] =	sst s7  }
0x10: {  	[smem:$0x3FA3] =	sst s8  }
0x11: {  	[smem:$0x3FA4] =	sst s9;
	s0 =	simm.s32 @!p0 $0x0  }
0x12: {  	s1 =	sld [smem:$0x3F8A];
	s0 =	simm.s32 @p0 $0x1  }
0x13: {  	[smem:$0x3FA5] =	sst s0;
	s0 =	simm.s32 @!p1 $0x0  }
0x14: {  	s2 =	sld [smem:$0x3F89];
	s0 =	simm.s32 @p1 $0x1  }
0x15: {  	[smem:$0x3FA6] =	sst s0;
	s0 =	simm.s32 @!p2 $0x0  }
0x16: {  	s3 =	sld [smem:$0x3FDB];
	s0 =	simm.s32 @p2 $0x1  }
0x17: {  	s4 =	simm.s32 $0x1BF5;
	[smem:$0x3FA8] =	sst s0  }
0x18: {  	s0 =	sld [smem:$0x3F8B];
	_ =	swait.ge [sflag:s4], $0x0  }
0x19: {  	s7 =	sld [smem:$0x3F8C]  }
0x1a: {  	s8 =	sadd.s32 $0xFFFFE003, lr  }
0x1b: {  	s9 =	sadd.s32 $0xFFFFFEF7, lr;
	s5 =	simm.s32 $0xFFFFFFFF;
	p2 =	slt.u32 s8, $0xFFFFF086  }
0x1c: {  	p1 =	slt.u32 s9, $0xF7A;
	s5 =	simm.s32 @!p2 $0x0  }
0x1d: {  	s5 =	simm.s32 @p1 $0x1;
	p0 =	seq.s32 s7, s2  }
0x1e: {  	s7 =	smul.u32 @!p0 $0xF7A, s2;
	p2 =	seq.s32 @!p0 s5, $0x0  }
0x1f: {  	s9 =	smul.u32 $0xF7A, s1;
	s8 =	simm.s32 @!p0 $0x1BF5;
	p2 =	por !p2, p0  }
0x20: {  	[sflag:s8] =	ssyncset.s32 @!p0 $0xFFFFF086;
	s6 =	sadd.s32 @!p0 s3, s7;
	s7 =	simm.s32 @!p0 $0x108  }
0x21: {  	s3 =	sadd.s32 s3, s9;
	s6 =	sadd.s32 @!p0 $0x88, s6;
	s7 =	simm.s32 @p2 $0x1082  }
0x22: {  	[simem:s7], [sflag:s8] =	dma.local @!p0 [hbm:s6], $0xF7A  }
0x23: {  	s9 =	sor.u32 $0xD0000000, s2;
	s6 =	simm.s32 $0x108;
	_ =	swait.ge @!p0 [sflag:s8], $0x0  }
0x24: {  	s3 =	sadd.s32 $0x88, s3;
	s6 =	simm.s32 @!p1 $0x1082;
	[sflag:s4] =	ssyncset.s32 $0xFFFFF086  }
0x25: {  	[simem:s6], [sflag:s4] =	dma.local [hbm:s3], $0xF7A  }
0x26: {  	[smem:$0x3F8C] =	sst s1;
	(tag) =	ssettag s2;
	_ =	strace s9  }
0x27: {  	s1 =	sld [smem:$0x3F9C]  }
0x28: {  	s2 =	sld [smem:$0x3F9D]  }
0x29: {  	s4 =	sld [smem:$0x3F9F]  }
0x2a: {  	p0 =	seq.s32 s5, $0x0;
	s5 =	sld [smem:$0x3FA0]  }
0x2b: {  	s6 =	sld [smem:$0x3FA1]  }
0x2c: {  	s7 =	sld [smem:$0x3FA2]  }
0x2d: {  	s3 =	simm.s32 $0x108;
	s8 =	sld [smem:$0x3FA3]  }
0x2e: {  	s3 =	simm.s32 @!p0 $0x1082;
	s9 =	sld [smem:$0x3FA4]  }
0x2f: {  	lr =	sadd.s32 s0, s3;
	s0 =	sld [smem:$0x3F9B]  }
0x30: {  	s3 =	sld [smem:$0x3F9E]  }
0x31: {  	[smem:$0x3FA7] =	sst s10  }
0x32: {  	s10 =	sld [smem:$0x3FA5];
	_ =	sdelay $0x3  }
0x33: {  	p0 =	seq.s32 s10, $0x1;
	s10 =	sld [smem:$0x3FA7];
	_ =	sdelay $0x3  }
0x34: {  	[smem:$0x3FA7] =	sst s10  }
0x35: {  	s10 =	sld [smem:$0x3FA6];
	_ =	sdelay $0x3  }
0x36: {  	p1 =	seq.s32 s10, $0x1;
	s10 =	sld [smem:$0x3FA7];
	_ =	sdelay $0x3  }
0x37: {  	[smem:$0x3FA7] =	sst s10  }
0x38: {  	s10 =	sld [smem:$0x3FA8]  }
0x39: {  	_ = 	snop;
	(pc) =	sbr.ind lr, $3  }
0x3a: {  	_ = 	snop  }
0x3b: {  	_ = 	snop  }
0x3c: {  	p2 =	seq.s32 s10, $0x1;
	s10 =	sld [smem:$0x3FA7]  }
0x3d: {  	_ =	shalt  }
0x3e: {  	_ =	shalt  }
0x3f: {  	_ =	shalt  }
0x40: {  	_ =	shalt  }
0x41: {  	_ =	shalt  }
0x42: {  	_ =	shalt  }
0x43: {  	_ =	shalt  }
0x44: {  	_ =	shalt  }
0x45: {  	_ =	shalt  }
0x46: {  	_ =	shalt  }
0x47: {  	_ =	shalt  }
0x48: {  	_ =	shalt  }
0x49: {  	_ =	shalt  }
0x4a: {  	_ =	shalt  }
0x4b: {  	_ =	shalt  }
0x4c: {  	_ =	shalt  }
0x4d: {  	_ =	shalt  }
0x4e: {  	_ =	shalt  }
0x4f: {  	_ =	shalt  }
0x50: {  	_ =	shalt  }
0x51: {  	_ =	shalt  }
0x52: {  	_ =	shalt  }
0x53: {  	_ =	shalt  }
0x54: {  	_ =	shalt  }
0x55: {  	_ =	shalt  }
0x56: {  	_ =	shalt  }
0x57: {  	_ =	shalt  }
0x58: {  	_ =	shalt  }
0x59: {  	_ =	shalt  }
0x5a: {  	_ =	shalt  }
0x5b: {  	_ =	shalt  }
0x5c: {  	_ =	shalt  }
0x5d: {  	_ =	shalt  }
0x5e: {  	_ =	shalt  }
0x5f: {  	_ =	shalt  }
0x60: {  	_ =	shalt  }
0x61: {  	_ =	shalt  }
0x62: {  	_ =	shalt  }
0x63: {  	_ =	shalt  }
0x64: {  	_ =	shalt  }
0x65: {  	_ =	shalt  }
0x66: {  	_ =	shalt  }
0x67: {  	_ =	shalt  }
0x68: {  	_ =	shalt  }
0x69: {  	_ =	shalt  }
0x6a: {  	_ =	shalt  }
0x6b: {  	_ =	shalt  }
0x6c: {  	_ =	shalt  }
0x6d: {  	_ =	shalt  }
0x6e: {  	_ =	shalt  }
0x6f: {  	_ =	shalt  }
0x70: {  	_ =	shalt  }
0x71: {  	_ =	shalt  }
0x72: {  	_ =	shalt  }
0x73: {  	_ =	shalt  }
0x74: {  	_ =	shalt  }
0x75: {  	_ =	shalt  }
0x76: {  	_ =	shalt  }
0x77: {  	_ =	shalt  }
0x78: {  	_ =	shalt  }
0x79: {  	_ =	shalt  }
0x7a: {  	_ =	shalt  }
0x7b: {  	_ =	shalt  }
0x7c: {  	_ =	shalt  }
0x7d: {  	_ =	shalt  }
0x7e: {  	_ =	shalt  }
0x7f: {  	_ =	shalt  }
0x80: {  	_ =	shalt  }
0x81: {  	_ =	shalt  }
0x82: {  	_ =	shalt  }
0x83: {  	_ =	shalt  }
0x84: {  	_ =	shalt  }
0x85: {  	_ =	shalt  }
0x86: {  	_ =	shalt  }
0x87: {  	_ =	shalt  }
.Lfunc_end0:
.L_simem_size_0:
called_computation_lowered:
.L_overlay_start_0:
0x88: {  	s2 =	sld [smem:$0x3FD9]  }
0x89: {  	s3 =	sld [smem:$0x3FFE];
	_ =	sdelay $0x1  }
0x8a: {  	s1 =	srdreg.scid  }
0x8b: {  	s0 =	sand.u32 $0x1, s1  }
0x8c: {  	s17 =	sshll.u32 s0, $0xA;
	s2 =	sadd.s32 s3, s2  }
0x8d: {  	s2 =	sadd.s32 s2, s17  }
0x8e: {  	[smem:$0x3FB3] =	sst s2  }
0x8f: {  	_ = 	snop  }
0x90: {  	s18 =	sld [smem:$0x3FD0];
	(tm) =	ssettm $0x1  }
0x91: {  	s19 =	sld [smem:$0x3FFB];
	_ =	sdelay $0x3  }
0x92: {  	_ =	strace s19  }
0x93: {  	s2 =	sld [smem:$0x3FFC];
	_ =	sdelay $0x3  }
0x94: {  	_ =	strace s2  }
0x95: {  	s2 =	sld [smem:$0x3FFD];
	_ =	sdelay $0x3  }
0x96: {  	_ =	strace s2  }
0x97: {  	_ =	strace $0x8FFFFFFF  }
0x98: {  	s20 =	sld [smem:$0x3FDB];
	_ =	sdelay $0x1  }
0x99: {  	s4 =	simm.s32 $_scs_section_size  }
0x9a: {  	s5 =	simm.s32 $_size__tile_overlayer_lowered;
	s6 =	simm.s32 $_tile_overlayer_lowered  }
0x9b: {  	s7 =	simm.s32 $0x1BFF;
	s21 =	sshll.u32 s6, $0x1;
	s4 =	sadd.s32 s4, s20  }
0x9c: {  	s22 =	simm.s32 $0x0;
	s5 =	sshll.u32 s5, $0x1;
	s6 =	sadd.s32 s21, s4  }
0x9d: {  	[timem:s22], [sflag:s7] =	dma.local [hbm:s6], s5  }
0x9e: {  	_ =	swait.ge [sflag:s7], s5  }
0x9f: {  	s5 =	ssub.s32 $0x0, s5;
	[sflag:s7] =	ssyncset.done $0x0  }
0xa0: {  	[sflag:s7] =	ssyncadd.s32 s5;
	_ =	sdelay $0x1  }
0xa1: {  	s23 =	simm.s32 $0x1B8B  }
0xa2: {  	_ =	swait.ge [sflag:s23], $0x1  }
0xa3: {  	[sflag:s23] =	ssyncset.done $0x0  }
0xa4: {  	[sflag:s23] =	ssyncadd.s32 $0xFFFFFFFF  }
0xa5: {  	s5 =	sld [smem:$0x0]  }
0xa6: {  	s6 =	sand.u32 $0xFFFFFFFE, s1  }
0xa7: {  	p0 =	sne.s32 s1, s6  }
0xa8: {  	s6 =	sshll.u32 @p0 s6, $0xE  }
0xa9: {  	s6 =	sadd.s32 @p0 $0x11B8D, s6;
	s7 =	sshll.u32 @p0 s5, $0x11  }
0xaa: {  	s6 =	sor.u32 @p0 s7, s6  }
0xab: {  	[sflag:s6] =	ssyncadd.remote.s32 @p0 $0x1;
	_ =	sdelay $0x1  }
0xac: {  	s6 =	simm.s32 @p0 $0x1B8D  }
0xad: {  	_ =	swait.eq @p0 [sflag:s6], $0x1  }
0xae: {  	[sflag:s6] =	ssyncadd.s32 @p0 $0xFFFFFFFF  }
0xaf: {  	s7 =	sshll.u32 @!p0 s1, $0xE  }
0xb0: {  	s7 =	sor.u32 @!p0 $0x4000, s7;
	s6 =	simm.s32 @!p0 $0x1B8D  }
0xb1: {  	s5 =	sshll.u32 @!p0 s5, $0x11;
	s7 =	sadd.s32 @!p0 $0x11B8D, s7;
	_ =	swait.eq @!p0 [sflag:s6], $0x1  }
0xb2: {  	s5 =	sor.u32 @!p0 s5, s7;
	[sflag:s6] =	ssyncadd.s32 @!p0 $0xFFFFFFFF  }
0xb3: {  	s25 =	simm.s32 $0x1B8E;
	s24 =	sld [smem:$0x3FFE];
	[sflag:s5] =	ssyncadd.remote.s32 @!p0 $0x1  }
0xb4: {  	s26 =	simm.s32 $execute0_lowered;
	[smem:$0x3FD2] =	sst s25  }
0xb5: {  	s6 =	sshll.u32 s26, $0x1;
	_ =	strace $0x80000049;
	[dreg:$0x1] =	wrdreg $0xFFFFFFFF  }
0xb6: {  	s28 =	simm.s32 $_size_execute0_lowered;
	s4 =	sadd.s32 s4, s6;
	[dreg:$0x0] =	wrdreg $0x0  }
0xb7: {  	s6 =	sshll.u32 s28, $0x1;
	[dreg:$0x2] =	wrdreg s4  }
0xb8: {  	[dreg:$0x3] =	wrdreg s6  }
0xb9: {  	[dreg:$0x4] =	wrdreg $0xC0  }
0xba: {  	_ =	task [dreg:s22], $0x5FFFF  }
0xbb: {  	[dreg:$0x1] =	wrdreg $0xFFFFFFFF  }
0xbc: {  	[dreg:$0x0] =	wrdreg $0x60  }
0xbd: {  	[dreg:$0x2] =	wrdreg s24  }
0xbe: {  	[dreg:$0x3] =	wrdreg s18  }
0xbf: {  	[dreg:$0x4] =	wrdreg $0x9  }
0xc0: {  	_ =	task.clear_ibuf [dreg:s22], $0x5FFFF;
	_ =	strace $0x90000049  }
0xc1: {  	s29 =	simm.s32 $0x9;
	_ =	strace $0x8000004B  }
0xc2: {  	_ =	swait.ge [sflag:s29], $0x1  }
0xc3: {  	[sflag:s29] =	ssyncadd.s32 $0xFFFFFFFF  }
0xc4: {  	_ =	strace $0x9000004B  }
0xc5: {  	_ =	sfence  }
0xc6: {  	s30 =	sld [smem:$0x0];
	_ =	sdelay $0x2  }
0xc7: {  	s31 =	sshll.u32 s1, $0xD;
	s1 =	sshrl.u32 s1, $0x2  }
0xc8: {  	s4 =	sand.u32 $0x4000, s31;
	s1 =	sadd.s32 s1, s30  }
0xc9: {  	s0 =	sor.u32 s4, s0;
	s1 =	sshll.u32 s1, $0x11  }
0xca: {  	s0 =	sor.u32 s1, s0  }
0xcb: {  	s0 =	sadd.s32 $0x8F2B, s0  }
0xcc: {  	[sflag:s0] =	ssyncadd.remote.s32 $0x1  }
0xcd: {  	_ =	sfence.sel $0xFFFF  }
0xce: {  	[dreg:$0x0] =	wrdreg $0xFFFFFFFF;
	(pc) =	sbr.abs _section_cstart, $3  }
0xcf: {  	[dreg:$0x1] =	wrdreg $0xFFFFFFFF  }
0xd0: {  	_ =	task.clear_ibuf [dreg:s22], $0x2FFFF;
	_ =	strace $0x9FFFFFFF  }
0xd1: {  	(tm) =	ssettm $0x7FFFFFFF  }
tec
execute0_lowered:
.L_overlay_start_1:
0x0: {  	(tag) =	ssettag $0x1  }
0x1: {  	s1 =	srdreg.scid  }
0x2: {  	s0 =	stileid.u32;
	s19 =	sand.u32 $0x1, s1  }
0x3: {  	s30 =	sshll.u32 s0, $0xA;
	s3 =	sshll.u32 s19, $0x9  }
0x4: {  	s16 =	rddreg [dreg:$0x0];
	s12 =	sor.u32 s3, s30  }
0x5: {  	s2 =	rddreg [dreg:$0x1];
	s3 =	simm.s32 $0x0;
	s4 =	sshrl.u32 s12, $0x3  }
0x6: {  	s5 =	simm.s32 $0x4;
	[smem:$0x7FF] =	sst s3;
	s6 =	sadd.s32 s4, s16  }
0x7: {  	s1 =	rddreg [dreg:$0x2];
	_ =	strace $0x8000004A;
	s4 =	sadd.s32 $0x1E4E00, s6  }
0x8: {  	[tilespmem:s3], [sflag:$0x4] =	stream.linear.gather [hbm4b:s4+s3], $0x200, $0x38;
	[tilespmem:$0x10400] =	vst v63  }
0x9: {  	_ =	swait.ge [sflag:s5], $0x200  }
0xa: {  	[sflag:s5] =	ssyncset.done $0x0  }
0xb: {  	s7 =	simm.s32 $0x200;
	s6 =	sadd.s32 $0x1E5600, s6;
	[sflag:s5] =	ssyncadd.s32 $0xFFFFFE00  }
0xc: {  	[tilespmem:s7], [sflag:$0x4] =	stream.linear.gather [hbm4b:s6+s3], $0x200, $0x38;
	[tilespmem:$0x10400] =	vst v63  }
0xd: {  	_ =	swait.ge [sflag:s5], $0x200  }
0xe: {  	s9 =	simm.s32 $0x100;
	s10 =	simm.s32 $0x400;
	[sflag:s5] =	ssyncset.done $0x0  }
0xf: {  	s11 =	simm.s32 $0x1;
	s8 =	sadd.s32 $0x1C4E00, s16;
	[sflag:s5] =	ssyncadd.s32 $0xFFFFFE00  }
0x10: {  	[tilespmem:s10], [sflag:$0x1] =	stream.indirect.gather [hbm4b:s8+s9], $0x80, s3, s9, $0xb8;
	[tilespmem:$0x10400] =	vst v63  }
0x11: {  	_ =	swait.ge [sflag:s11], $0x8000  }
0x12: {  	s14 =	sadd.s32 $0x1E5E00, s16;
	s17 =	sshll.u32 s12, $0x4;
	[sflag:s11] =	ssyncset.done $0x0  }
0x13: {  	s12 =	sadd.s32 s14, s17;
	[sflag:s11] =	ssyncadd.s32 $0xFFFF8000  }
0x14: {  	[hbm4b:s12+s3] =	stream.linear.scatter [tilespmem:s10], [sflag:$0x2], $0x8000, $0x38;
	[tilespmem:$0x10400] =	vst v63  }
0x15: {  	s13 =	simm.s32 $0x8400  }
0x16: {  	[tilespmem:s13], [sflag:$0x1] =	stream.indirect.gather [hbm4b:s8+s9], $0x80, s9, s9, $0xb8;
	[tilespmem:$0x10400] =	vst v63  }
0x17: {  	_ =	swait.ge [sflag:s11], $0x8000  }
0x18: {  	s20 =	sor.u32 $0x1000, s17;
	[sflag:s11] =	ssyncset.done $0x0  }
0x19: {  	s15 =	simm.s32 $0x2;
	s14 =	sadd.s32 s14, s20;
	[sflag:s11] =	ssyncadd.s32 $0xFFFF8000  }
0x1a: {  	[hbm4b:s14+s3] =	stream.linear.scatter [tilespmem:s13], [sflag:$0x3], $0x8000, $0x38;
	[tilespmem:$0x10400] =	vst v63  }
0x1b: {  	_ =	swait.ge [sflag:s15], $0x8000  }
0x1c: {  	[sflag:s15] =	ssyncset.done $0x0  }
0x1d: {  	[sflag:s15] =	ssyncadd.s32 $0xFFFF8000  }
0x1e: {  	[tilespmem:s10], [sflag:$0x1] =	stream.indirect.gather [hbm4b:s2+s9], $0x80, s7, s9, $0xb8;
	[tilespmem:$0x10400] =	vst v63  }
0x1f: {  	_ =	swait.ge [sflag:s11], $0x8000  }
0x20: {  	s21 =	sadd.s32 $0x225E00, s16;
	[sflag:s11] =	ssyncset.done $0x0  }
0x21: {  	s17 =	sadd.s32 s21, s17;
	s16 =	simm.s32 $0x3;
	[sflag:s11] =	ssyncadd.s32 $0xFFFF8000  }
0x22: {  	[hbm4b:s17+s3] =	stream.linear.scatter [tilespmem:s10], [sflag:$0x2], $0x8000, $0x38;
	[tilespmem:$0x10400] =	vst v63  }
0x23: {  	_ =	swait.ge [sflag:s16], $0x8000  }
0x24: {  	s22 =	ssub.s32 $0x2, s19;
	[sflag:s16] =	ssyncset.done $0x0  }
0x25: {  	s18 =	simm.s32 $0x300;
	s31 =	sshrl.u32 s22, $0x1;
	[sflag:s16] =	ssyncadd.s32 $0xFFFF8000  }
0x26: {  	[tilespmem:s13], [sflag:$0x1] =	stream.indirect.gather [hbm4b:s2+s9], $0x80, s18, s9, $0xb8;
	[tilespmem:$0x10400] =	vst v63  }
0x27: {  	s19 =	sadd.s32 s21, s20;
	s20 =	ssub.s32 s22, s31;
	_ =	swait.ge [sflag:s11], $0x8000  }
0x28: {  	s20 =	smax.u32 s20, $0x1;
	[sflag:s11] =	ssyncset.done $0x0  }
0x29: {  	p0 =	sne.s32 s20, $0x1;
	[sflag:s11] =	ssyncadd.s32 $0xFFFF8000  }
0x2a: {  	[hbm4b:s19+s3] =	stream.linear.scatter [tilespmem:s13], [sflag:$0x3], $0x8000, $0x38;
	[tilespmem:$0x10400] =	vst v63  }
.Ltmp0:
0x2b: {  	_ =	swait.ge [sflag:s15], $0x8000;
	(pc) =	sbr.rel @!p0 .LBB2_2-.Ltmp0, $4  }
0x2c: {  	[sflag:s15] =	ssyncset.done $0x0  }
0x2d: {  	[sflag:s15] =	ssyncadd.s32 $0xFFFF8000  }
0x2e: {  	_ =	swait.ge [sflag:s16], $0x8000  }
0x2f: {  	s20 =	sadd.s32 $0xFFFFFFFF, s20;
	[sflag:s16] =	ssyncset.done $0x0  }
.LBB2_1:
0x30: {  	p0 =	sne.s32 s20, $0x1;
	s20 =	sadd.s32 $0xFFFFFFFF, s20;
	[sflag:s16] =	ssyncadd.s32 $0xFFFF8000  }
0x31: {  	[tilespmem:s3], [sflag:$0x4] =	stream.linear.gather [hbm4b:s4+s3], $0x200, $0x38;
	[tilespmem:$0x10400] =	vst v63  }
0x32: {  	_ =	swait.ge [sflag:s5], $0x200  }
0x33: {  	[sflag:s5] =	ssyncset.done $0x0  }
0x34: {  	[sflag:s5] =	ssyncadd.s32 $0xFFFFFE00  }
0x35: {  	[tilespmem:s7], [sflag:$0x4] =	stream.linear.gather [hbm4b:s6+s3], $0x200, $0x38;
	[tilespmem:$0x10400] =	vst v63  }
0x36: {  	_ =	swait.ge [sflag:s5], $0x200  }
0x37: {  	[sflag:s5] =	ssyncset.done $0x0  }
0x38: {  	[sflag:s5] =	ssyncadd.s32 $0xFFFFFE00  }
0x39: {  	[tilespmem:s10], [sflag:$0x1] =	stream.indirect.gather [hbm4b:s8+s9], $0x80, s3, s9, $0xb8;
	[tilespmem:$0x10400] =	vst v63  }
0x3a: {  	_ =	swait.ge [sflag:s11], $0x8000  }
0x3b: {  	[sflag:s11] =	ssyncset.done $0x0  }
0x3c: {  	[sflag:s11] =	ssyncadd.s32 $0xFFFF8000  }
0x3d: {  	[hbm4b:s12+s3] =	stream.linear.scatter [tilespmem:s10], [sflag:$0x2], $0x8000, $0x38;
	[tilespmem:$0x10400] =	vst v63  }
0x3e: {  	_ = 	snop  }
0x3f: {  	[tilespmem:s13], [sflag:$0x1] =	stream.indirect.gather [hbm4b:s8+s9], $0x80, s9, s9, $0xb8;
	[tilespmem:$0x10400] =	vst v63  }
0x40: {  	_ =	swait.ge [sflag:s11], $0x8000  }
0x41: {  	[sflag:s11] =	ssyncset.done $0x0  }
0x42: {  	[sflag:s11] =	ssyncadd.s32 $0xFFFF8000  }
0x43: {  	[hbm4b:s14+s3] =	stream.linear.scatter [tilespmem:s13], [sflag:$0x3], $0x8000, $0x38;
	[tilespmem:$0x10400] =	vst v63  }
0x44: {  	_ =	swait.ge [sflag:s15], $0x8000  }
0x45: {  	[sflag:s15] =	ssyncset.done $0x0  }
0x46: {  	[sflag:s15] =	ssyncadd.s32 $0xFFFF8000  }
0x47: {  	[tilespmem:s10], [sflag:$0x1] =	stream.indirect.gather [hbm4b:s2+s9], $0x80, s7, s9, $0xb8;
	[tilespmem:$0x10400] =	vst v63  }
0x48: {  	_ =	swait.ge [sflag:s11], $0x8000  }
0x49: {  	[sflag:s11] =	ssyncset.done $0x0  }
0x4a: {  	[sflag:s11] =	ssyncadd.s32 $0xFFFF8000  }
0x4b: {  	[hbm4b:s17+s3] =	stream.linear.scatter [tilespmem:s10], [sflag:$0x2], $0x8000, $0x38;
	[tilespmem:$0x10400] =	vst v63  }
0x4c: {  	_ =	swait.ge [sflag:s16], $0x8000  }
0x4d: {  	[sflag:s16] =	ssyncset.done $0x0  }
0x4e: {  	[sflag:s16] =	ssyncadd.s32 $0xFFFF8000  }
0x4f: {  	[tilespmem:s13], [sflag:$0x1] =	stream.indirect.gather [hbm4b:s2+s9], $0x80, s18, s9, $0xb8;
	[tilespmem:$0x10400] =	vst v63  }
0x50: {  	_ =	swait.ge [sflag:s11], $0x8000  }
0x51: {  	[sflag:s11] =	ssyncset.done $0x0  }
0x52: {  	[sflag:s11] =	ssyncadd.s32 $0xFFFF8000  }
0x53: {  	[hbm4b:s19+s3] =	stream.linear.scatter [tilespmem:s13], [sflag:$0x3], $0x8000, $0x38;
	[tilespmem:$0x10400] =	vst v63  }
.Ltmp1:
0x54: {  	_ =	swait.ge [sflag:s15], $0x8000;
	(pc) =	sbr.rel @p0 .LBB2_1-.Ltmp1, $4  }
0x55: {  	[sflag:s15] =	ssyncset.done $0x0  }
0x56: {  	[sflag:s15] =	ssyncadd.s32 $0xFFFF8000  }
0x57: {  	_ =	swait.ge [sflag:s16], $0x8000  }
0x58: {  	[sflag:s16] =	ssyncset.done $0x0  }
.LBB2_2:
0x59: {  	[sflag:s16] =	ssyncadd.s32 $0xFFFF8000  }
0x5a: {  	_ =	sfence.sel $0x180000  }
0x5b: {  	[bflag:$0x0] =	sbarrier.arrive $0xFFFF  }
0x5c: {  	p0 =	sne.s32 s0, $0x0;
	_ =	strace $0x9000004A  }
0x5d: {  	s0 =	sadd.s32 @!p0 $0x100000, s1;
	[bflag:$0x2] =	sbarrier.arrive $0xFFFF  }
0x5e: {  	[sflag:s0] =	ssyncadd.tile.s32 @!p0 $0x1;
	_ =	shalt  }
.Lfunc_end2:
_tile_overlayer_lowered:
.L_overlay_start_2:
0x5f: {  	(tag) =	ssettag $0x2  }
0x60: {  	s0 =	rddreg [dreg:$0x0];
	s2 =	stileid.u32  }
0x61: {  	s1 =	rddreg [dreg:$0x1];
	p0 =	sne.s32 s2, $0x0  }
0x62: {  	s3 =	rddreg [dreg:$0x2];
	[bflag:$0x3] =	sbarrier.arrive $0xFFFF;
	s2 =	simm.s32 @!p0 $0x1C04  }
0x63: {  	[timem:s3], [sflag:s2] =	dma.local @!p0 [hbm:s0], s1  }
0x64: {  	s0 =	simm.s32 @!p0 $0x4  }
0x65: {  	_ =	swait.ge @!p0 [sflag:s0], s1  }
0x66: {  	s1 =	ssub.s32 @!p0 $0x0, s1;
	[sflag:s0] =	ssyncset.done @!p0 $0x0  }
0x67: {  	[sflag:s0] =	ssyncadd.s32 @!p0 s1  }
0x68: {  	[bflag:$0x3] =	sbarrier.arrive $0xFFFF  }
0x69: {  	_ =	shalt  }

</sc_bundles>
